<compile_context>
chip_gen: v7x
topology: tpu7x:2x2x1
jax: 0.10.2.dev20260603
libtpu: 0.0.44.dev20260713+nightly
codegen_flags: <defaults>
</compile_context>

<pallas_src>
import functools

import jax
import jax.numpy as jnp
from jax import lax
from jax.experimental import pallas as pl
from jax.experimental.pallas import tpu as pltpu
from jax.experimental.pallas import tpu_sc as plsc

NC, NS, L = 2, 16, 16
NW = NC * NS
LAG = 12


def kernel(idx, emb_weight):
    B = idx.shape[0]
    V, D = emb_weight.shape
    b_per_w = B // NW

    mesh = plsc.VectorSubcoreMesh(core_axis_name="c", subcore_axis_name="s")

    @functools.partial(
        pl.kernel,
        mesh=mesh,
        out_type=jax.ShapeDtypeStruct((B, D), emb_weight.dtype),
        scratch_types=[
            pltpu.VMEM((b_per_w,), jnp.int32),
            pltpu.VMEM((b_per_w, D), emb_weight.dtype),
            pltpu.VMEM((L, D), emb_weight.dtype),
            pltpu.SemaphoreType.DMA,
        ],
        compiler_params=pltpu.CompilerParams(needs_layout_passes=False),
    )
    def gather_kernel(table_hbm, idx_hbm, out_hbm, idx_v, rows_v, drain_v,
                      sem):
        wid = lax.axis_index("s") * NC + lax.axis_index("c")
        base = wid * b_per_w
        pltpu.sync_copy(idx_hbm.at[pl.ds(base, b_per_w)], idx_v)
        lane = lax.iota(jnp.int32, L)

        @pl.loop(0, b_per_w, step=L)
        def _(i):
            v = idx_v[pl.ds(i, L)]
            for k in range(L):
                j = lax.reduce_sum(jnp.where(lane == k, v, 0), axes=(0,))
                pltpu.async_copy(
                    table_hbm.at[pl.ds(j, 1)],
                    rows_v.at[pl.ds(i + k, 1)],
                    sem,
                )

            @pl.when(i >= LAG * L)
            def _():
                pltpu.make_async_copy(
                    table_hbm.at[pl.ds(0, L)], drain_v, sem).wait()

        for _ in range(LAG):
            pltpu.make_async_copy(
                table_hbm.at[pl.ds(0, L)], drain_v, sem).wait()

        pltpu.sync_copy(rows_v, out_hbm.at[pl.ds(base, b_per_w)])

    return gather_kernel(emb_weight, idx.astype(jnp.int32))

# --- scband reference (transcript-rebuilt; emitter-appended) ---
"""Pipeline reference for scband-appearance-embedding-88725434401397 (READ-ONLY COPY).

The authoritative reference and input builder live on the scoring server;
editing this copy changes nothing except your own understanding.
"""

import jax, jax.numpy as jnp
import numpy as np

N_IMAGES = 100000
DIM = 64
BATCH = 16384

def setup_inputs(seed: int = 0) -> dict:
    key = jax.random.key(seed)
    k_idx, k_w = jax.random.split(key)
    idx = jax.random.randint(k_idx, (BATCH,), 0, N_IMAGES, dtype=jnp.int64 if jax.config.jax_enable_x64 else jnp.int32)
    # nn.init.normal_(weight, mean=0, std=0.01)
    emb_weight = jax.random.normal(k_w, (N_IMAGES, DIM), dtype=jnp.float32) * 0.01
    return {"idx": idx, "emb_weight": emb_weight}

def reference(idx, emb_weight):
    # Faithful to nn.Embedding: row gather from the table
    return jnp.take(emb_weight, idx, axis=0)

if __name__ == "__main__":
    import jax
    _d = setup_inputs()
    print(jax.jit(kernel)(*tuple(_d.values())))

</pallas_src>

<mosaic_0001>
#map = affine_map<(d0, d1) -> (0, 0)>
#map1 = affine_map<(d0, d1) -> (0)>
module attributes {stable_mosaic.version = 14 : i64} {
  func.func @gather_kernel(%arg0: i32, %arg1: i32, %arg2: memref<100000x64xf32, #tpu.memory_space<hbm>>, %arg3: memref<16384xi32, #tpu.memory_space<hbm>>, %arg4: memref<16384x64xf32, #tpu.memory_space<hbm>>, %arg5: memref<512xi32, #tpu.memory_space<vmem>>, %arg6: memref<512x64xf32, #tpu.memory_space<vmem>>, %arg7: memref<16x64xf32, #tpu.memory_space<vmem>>, %arg8: memref<!tpu.dma_semaphore, #tpu.memory_space<semaphore_mem>>) attributes {dimension_semantics = [#tpu.dimension_semantics<core_parallel>, #tpu.dimension_semantics<subcore_parallel>], iteration_bounds = array<i64: 2, 16>, scalar_prefetch = 0 : i64, scratch_operands = 4 : i64, tpu.core_type = #tpu.core_type<sc_vector_subcore>, window_params = [{transform_indices = #map}, {transform_indices = #map1}, {transform_indices = #map}]} {
    %mul3A = arith.constant 2 : i32
    %mul3A_0 = arith.muli %arg1, %mul3A : i32
    %add3A = arith.addi %mul3A_0, %arg0 : i32
    %mul3A_1 = arith.constant 512 : i32
    %mul3A_2 = arith.muli %add3A, %mul3A_1 : i32
    "tpu.region"() ({
      %run_scoped3A = tpu.sem_alloc : memref<!tpu.dma_semaphore, #tpu.memory_space<semaphore_mem>>
      %dma_start3A = tpu.memref_slice %arg3[%mul3A_2] : memref<16384xi32, #tpu.memory_space<hbm>> -> memref<512xi32, #tpu.memory_space<hbm>>
      %dma_start3A_78 = tpu.memref_slice %arg3[%mul3A_2] : memref<16384xi32, #tpu.memory_space<hbm>> -> memref<512xi32, #tpu.memory_space<hbm>>
      tpu.enqueue_dma source(%dma_start3A_78 : memref<512xi32, #tpu.memory_space<hbm>>) target(%arg5 : memref<512xi32, #tpu.memory_space<vmem>>) target_semaphore(%run_scoped3A : memref<!tpu.dma_semaphore, #tpu.memory_space<semaphore_mem>>)
      %dma_wait3A_79 = tpu.memref_slice %arg3[%mul3A_2] : memref<16384xi32, #tpu.memory_space<hbm>> -> memref<512xi32, #tpu.memory_space<hbm>>
      %dma_wait3A_80 = tpu.memref_slice %arg3[%mul3A_2] : memref<16384xi32, #tpu.memory_space<hbm>> -> memref<512xi32, #tpu.memory_space<hbm>>
      tpu.wait_dma2 semaphore(%run_scoped3A : memref<!tpu.dma_semaphore, #tpu.memory_space<semaphore_mem>>) src(%dma_wait3A_80 : memref<512xi32, #tpu.memory_space<hbm>>) dst(%arg5 : memref<512xi32, #tpu.memory_space<vmem>>)
      tpu.yield
    }) : () -> ()
    %iota3A = tpu.iota {dimensions = array<i32: 0>} : vector<16xi32>
    %scan3A = arith.constant 0 : i32
    %scan3A_3 = arith.constant 32 : i32
    %scan3A_4 = arith.addi %scan3A, %scan3A_3 : i32
    %scan3A_5 = arith.constant 1 : i32
    scf.for %scan3A_78 = %scan3A to %scan3A_4 step %scan3A_5  : i32 {
      %mul3A_79 = arith.constant 16 : i32
      %mul3A_80 = arith.muli %scan3A_78, %mul3A_79 : i32
      %add3A_81 = arith.constant 0 : i32
      %add3A_82 = arith.addi %add3A_81, %mul3A_80 : i32
      %get3A = arith.index_cast %add3A_82 : i32 to index
      %get3A_83 = tpu.vector_load %arg5[%get3A] {strides = array<i32>} : memref<512xi32, #tpu.memory_space<vmem>>, vector<16xi32>,
      %eq3A = arith.constant 0 : i32
      %eq3A_84 = vector.broadcast %eq3A : i32 to vector<16xi32>
      %eq3A_85 = arith.cmpi eq, %iota3A, %eq3A_84 : vector<16xi32>
      %jit3A = arith.constant 0 : i32
      %broadcast_in_dim3A = vector.broadcast %jit3A : i32 to vector<16xi32>
      %select_n3A = arith.select %eq3A_85, %get3A_83, %broadcast_in_dim3A : vector<16xi1>, vector<16xi32>
      %reduce_sum3A = arith.constant true
      %reduce_sum3A_86 = vector.broadcast %reduce_sum3A : i1 to vector<16xi1>
      %reduce_sum3A_87 = tpu.scan <sum>, %select_n3A masked %reduce_sum3A_86 : vector<16xi32>, vector<16xi1> -> vector<16xi32>
      %reduce_sum3A_88 = vector.extract %reduce_sum3A_87[15] : i32 from vector<16xi32>
      %add3A_89 = arith.constant 0 : i32
      %add3A_90 = arith.addi %add3A_82, %add3A_89 : i32
      %dma_start3A = arith.constant 0 : i32
      %dma_start3A_91 = tpu.memref_slice %arg6[%add3A_90, %dma_start3A] : memref<512x64xf32, #tpu.memory_space<vmem>> -> memref<1x64xf32, #tpu.memory_space<vmem>>
      %dma_start3A_92 = arith.constant 0 : i32
      %dma_start3A_93 = tpu.memref_slice %arg2[%reduce_sum3A_88, %dma_start3A_92] : memref<100000x64xf32, #tpu.memory_space<hbm>> -> memref<1x64xf32, #tpu.memory_space<hbm>>
      %dma_start3A_94 = arith.constant 0 : i32
      %dma_start3A_95 = tpu.memref_slice %arg6[%add3A_90, %dma_start3A_94] : memref<512x64xf32, #tpu.memory_space<vmem>> -> memref<1x64xf32, #tpu.memory_space<vmem>>
      %dma_start3A_96 = arith.constant 0 : i32
      %dma_start3A_97 = tpu.memref_slice %arg2[%reduce_sum3A_88, %dma_start3A_96] : memref<100000x64xf32, #tpu.memory_space<hbm>> -> memref<1x64xf32, #tpu.memory_space<hbm>>
      tpu.enqueue_dma source(%dma_start3A_97 : memref<1x64xf32, #tpu.memory_space<hbm>>) target(%dma_start3A_95 : memref<1x64xf32, #tpu.memory_space<vmem>>) target_semaphore(%arg8 : memref<!tpu.dma_semaphore, #tpu.memory_space<semaphore_mem>>)
      %eq3A_98 = arith.constant 1 : i32
      %eq3A_99 = vector.broadcast %eq3A_98 : i32 to vector<16xi32>
      %eq3A_100 = arith.cmpi eq, %iota3A, %eq3A_99 : vector<16xi32>
      %jit3A_101 = arith.constant 0 : i32
      %broadcast_in_dim3A_102 = vector.broadcast %jit3A_101 : i32 to vector<16xi32>
      %select_n3A_103 = arith.select %eq3A_100, %get3A_83, %broadcast_in_dim3A_102 : vector<16xi1>, vector<16xi32>
      %reduce_sum3A_104 = arith.constant true
      %reduce_sum3A_105 = vector.broadcast %reduce_sum3A_104 : i1 to vector<16xi1>
      %reduce_sum3A_106 = tpu.scan <sum>, %select_n3A_103 masked %reduce_sum3A_105 : vector<16xi32>, vector<16xi1> -> vector<16xi32>
      %reduce_sum3A_107 = vector.extract %reduce_sum3A_106[15] : i32 from vector<16xi32>
      %add3A_108 = arith.constant 1 : i32
      %add3A_109 = arith.addi %add3A_82, %add3A_108 : i32
      %dma_start3A_110 = arith.constant 0 : i32
      %dma_start3A_111 = tpu.memref_slice %arg6[%add3A_109, %dma_start3A_110] : memref<512x64xf32, #tpu.memory_space<vmem>> -> memref<1x64xf32, #tpu.memory_space<vmem>>
      %dma_start3A_112 = arith.constant 0 : i32
      %dma_start3A_113 = tpu.memref_slice %arg2[%reduce_sum3A_107, %dma_start3A_112] : memref<100000x64xf32, #tpu.memory_space<hbm>> -> memref<1x64xf32, #tpu.memory_space<hbm>>
      %dma_start3A_114 = arith.constant 0 : i32
      %dma_start3A_115 = tpu.memref_slice %arg6[%add3A_109, %dma_start3A_114] : memref<512x64xf32, #tpu.memory_space<vmem>> -> memref<1x64xf32, #tpu.memory_space<vmem>>
      %dma_start3A_116 = arith.constant 0 : i32
      %dma_start3A_117 = tpu.memref_slice %arg2[%reduce_sum3A_107, %dma_start3A_116] : memref<100000x64xf32, #tpu.memory_space<hbm>> -> memref<1x64xf32, #tpu.memory_space<hbm>>
      tpu.enqueue_dma source(%dma_start3A_117 : memref<1x64xf32, #tpu.memory_space<hbm>>) target(%dma_start3A_115 : memref<1x64xf32, #tpu.memory_space<vmem>>) target_semaphore(%arg8 : memref<!tpu.dma_semaphore, #tpu.memory_space<semaphore_mem>>)
      %eq3A_118 = arith.constant 2 : i32
      %eq3A_119 = vector.broadcast %eq3A_118 : i32 to vector<16xi32>
      %eq3A_120 = arith.cmpi eq, %iota3A, %eq3A_119 : vector<16xi32>
      %jit3A_121 = arith.constant 0 : i32
      %broadcast_in_dim3A_122 = vector.broadcast %jit3A_121 : i32 to vector<16xi32>
      %select_n3A_123 = arith.select %eq3A_120, %get3A_83, %broadcast_in_dim3A_122 : vector<16xi1>, vector<16xi32>
      %reduce_sum3A_124 = arith.constant true
      %reduce_sum3A_125 = vector.broadcast %reduce_sum3A_124 : i1 to vector<16xi1>
      %reduce_sum3A_126 = tpu.scan <sum>, %select_n3A_123 masked %reduce_sum3A_125 : vector<16xi32>, vector<16xi1> -> vector<16xi32>
      %reduce_sum3A_127 = vector.extract %reduce_sum3A_126[15] : i32 from vector<16xi32>
      %add3A_128 = arith.constant 2 : i32
      %add3A_129 = arith.addi %add3A_82, %add3A_128 : i32
      %dma_start3A_130 = arith.constant 0 : i32
      %dma_start3A_131 = tpu.memref_slice %arg6[%add3A_129, %dma_start3A_130] : memref<512x64xf32, #tpu.memory_space<vmem>> -> memref<1x64xf32, #tpu.memory_space<vmem>>
      %dma_start3A_132 = arith.constant 0 : i32
      %dma_start3A_133 = tpu.memref_slice %arg2[%reduce_sum3A_127, %dma_start3A_132] : memref<100000x64xf32, #tpu.memory_space<hbm>> -> memref<1x64xf32, #tpu.memory_space<hbm>>
      %dma_start3A_134 = arith.constant 0 : i32
      %dma_start3A_135 = tpu.memref_slice %arg6[%add3A_129, %dma_start3A_134] : memref<512x64xf32, #tpu.memory_space<vmem>> -> memref<1x64xf32, #tpu.memory_space<vmem>>
      %dma_start3A_136 = arith.constant 0 : i32
      %dma_start3A_137 = tpu.memref_slice %arg2[%reduce_sum3A_127, %dma_start3A_136] : memref<100000x64xf32, #tpu.memory_space<hbm>> -> memref<1x64xf32, #tpu.memory_space<hbm>>
      tpu.enqueue_dma source(%dma_start3A_137 : memref<1x64xf32, #tpu.memory_space<hbm>>) target(%dma_start3A_135 : memref<1x64xf32, #tpu.memory_space<vmem>>) target_semaphore(%arg8 : memref<!tpu.dma_semaphore, #tpu.memory_space<semaphore_mem>>)
      %eq3A_138 = arith.constant 3 : i32
      %eq3A_139 = vector.broadcast %eq3A_138 : i32 to vector<16xi32>
      %eq3A_140 = arith.cmpi eq, %iota3A, %eq3A_139 : vector<16xi32>
      %jit3A_141 = arith.constant 0 : i32
      %broadcast_in_dim3A_142 = vector.broadcast %jit3A_141 : i32 to vector<16xi32>
      %select_n3A_143 = arith.select %eq3A_140, %get3A_83, %broadcast_in_dim3A_142 : vector<16xi1>, vector<16xi32>
      %reduce_sum3A_144 = arith.constant true
      %reduce_sum3A_145 = vector.broadcast %reduce_sum3A_144 : i1 to vector<16xi1>
      %reduce_sum3A_146 = tpu.scan <sum>, %select_n3A_143 masked %reduce_sum3A_145 : vector<16xi32>, vector<16xi1> -> vector<16xi32>
      %reduce_sum3A_147 = vector.extract %reduce_sum3A_146[15] : i32 from vector<16xi32>
      %add3A_148 = arith.constant 3 : i32
      %add3A_149 = arith.addi %add3A_82, %add3A_148 : i32
      %dma_start3A_150 = arith.constant 0 : i32
      %dma_start3A_151 = tpu.memref_slice %arg6[%add3A_149, %dma_start3A_150] : memref<512x64xf32, #tpu.memory_space<vmem>> -> memref<1x64xf32, #tpu.memory_space<vmem>>
      %dma_start3A_152 = arith.constant 0 : i32
      %dma_start3A_153 = tpu.memref_slice %arg2[%reduce_sum3A_147, %dma_start3A_152] : memref<100000x64xf32, #tpu.memory_space<hbm>> -> memref<1x64xf32, #tpu.memory_space<hbm>>
      %dma_start3A_154 = arith.constant 0 : i32
      %dma_start3A_155 = tpu.memref_slice %arg6[%add3A_149, %dma_start3A_154] : memref<512x64xf32, #tpu.memory_space<vmem>> -> memref<1x64xf32, #tpu.memory_space<vmem>>
      %dma_start3A_156 = arith.constant 0 : i32
      %dma_start3A_157 = tpu.memref_slice %arg2[%reduce_sum3A_147, %dma_start3A_156] : memref<100000x64xf32, #tpu.memory_space<hbm>> -> memref<1x64xf32, #tpu.memory_space<hbm>>
      tpu.enqueue_dma source(%dma_start3A_157 : memref<1x64xf32, #tpu.memory_space<hbm>>) target(%dma_start3A_155 : memref<1x64xf32, #tpu.memory_space<vmem>>) target_semaphore(%arg8 : memref<!tpu.dma_semaphore, #tpu.memory_space<semaphore_mem>>)
      %eq3A_158 = arith.constant 4 : i32
      %eq3A_159 = vector.broadcast %eq3A_158 : i32 to vector<16xi32>
      %eq3A_160 = arith.cmpi eq, %iota3A, %eq3A_159 : vector<16xi32>
      %jit3A_161 = arith.constant 0 : i32
      %broadcast_in_dim3A_162 = vector.broadcast %jit3A_161 : i32 to vector<16xi32>
      %select_n3A_163 = arith.select %eq3A_160, %get3A_83, %broadcast_in_dim3A_162 : vector<16xi1>, vector<16xi32>
      %reduce_sum3A_164 = arith.constant true
      %reduce_sum3A_165 = vector.broadcast %reduce_sum3A_164 : i1 to vector<16xi1>
      %reduce_sum3A_166 = tpu.scan <sum>, %select_n3A_163 masked %reduce_sum3A_165 : vector<16xi32>, vector<16xi1> -> vector<16xi32>
      %reduce_sum3A_167 = vector.extract %reduce_sum3A_166[15] : i32 from vector<16xi32>
      %add3A_168 = arith.constant 4 : i32
      %add3A_169 = arith.addi %add3A_82, %add3A_168 : i32
      %dma_start3A_170 = arith.constant 0 : i32
      %dma_start3A_171 = tpu.memref_slice %arg6[%add3A_169, %dma_start3A_170] : memref<512x64xf32, #tpu.memory_space<vmem>> -> memref<1x64xf32, #tpu.memory_space<vmem>>
      %dma_start3A_172 = arith.constant 0 : i32
      %dma_start3A_173 = tpu.memref_slice %arg2[%reduce_sum3A_167, %dma_start3A_172] : memref<100000x64xf32, #tpu.memory_space<hbm>> -> memref<1x64xf32, #tpu.memory_space<hbm>>
      %dma_start3A_174 = arith.constant 0 : i32
      %dma_start3A_175 = tpu.memref_slice %arg6[%add3A_169, %dma_start3A_174] : memref<512x64xf32, #tpu.memory_space<vmem>> -> memref<1x64xf32, #tpu.memory_space<vmem>>
      %dma_start3A_176 = arith.constant 0 : i32
      %dma_start3A_177 = tpu.memref_slice %arg2[%reduce_sum3A_167, %dma_start3A_176] : memref<100000x64xf32, #tpu.memory_space<hbm>> -> memref<1x64xf32, #tpu.memory_space<hbm>>
      tpu.enqueue_dma source(%dma_start3A_177 : memref<1x64xf32, #tpu.memory_space<hbm>>) target(%dma_start3A_175 : memref<1x64xf32, #tpu.memory_space<vmem>>) target_semaphore(%arg8 : memref<!tpu.dma_semaphore, #tpu.memory_space<semaphore_mem>>)
      %eq3A_178 = arith.constant 5 : i32
      %eq3A_179 = vector.broadcast %eq3A_178 : i32 to vector<16xi32>
      %eq3A_180 = arith.cmpi eq, %iota3A, %eq3A_179 : vector<16xi32>
      %jit3A_181 = arith.constant 0 : i32
      %broadcast_in_dim3A_182 = vector.broadcast %jit3A_181 : i32 to vector<16xi32>
      %select_n3A_183 = arith.select %eq3A_180, %get3A_83, %broadcast_in_dim3A_182 : vector<16xi1>, vector<16xi32>
      %reduce_sum3A_184 = arith.constant true
      %reduce_sum3A_185 = vector.broadcast %reduce_sum3A_184 : i1 to vector<16xi1>
      %reduce_sum3A_186 = tpu.scan <sum>, %select_n3A_183 masked %reduce_sum3A_185 : vector<16xi32>, vector<16xi1> -> vector<16xi32>
      %reduce_sum3A_187 = vector.extract %reduce_sum3A_186[15] : i32 from vector<16xi32>
      %add3A_188 = arith.constant 5 : i32
      %add3A_189 = arith.addi %add3A_82, %add3A_188 : i32
      %dma_start3A_190 = arith.constant 0 : i32
      %dma_start3A_191 = tpu.memref_slice %arg6[%add3A_189, %dma_start3A_190] : memref<512x64xf32, #tpu.memory_space<vmem>> -> memref<1x64xf32, #tpu.memory_space<vmem>>
      %dma_start3A_192 = arith.constant 0 : i32
      %dma_start3A_193 = tpu.memref_slice %arg2[%reduce_sum3A_187, %dma_start3A_192] : memref<100000x64xf32, #tpu.memory_space<hbm>> -> memref<1x64xf32, #tpu.memory_space<hbm>>
      %dma_start3A_194 = arith.constant 0 : i32
      %dma_start3A_195 = tpu.memref_slice %arg6[%add3A_189, %dma_start3A_194] : memref<512x64xf32, #tpu.memory_space<vmem>> -> memref<1x64xf32, #tpu.memory_space<vmem>>
      %dma_start3A_196 = arith.constant 0 : i32
      %dma_start3A_197 = tpu.memref_slice %arg2[%reduce_sum3A_187, %dma_start3A_196] : memref<100000x64xf32, #tpu.memory_space<hbm>> -> memref<1x64xf32, #tpu.memory_space<hbm>>
      tpu.enqueue_dma source(%dma_start3A_197 : memref<1x64xf32, #tpu.memory_space<hbm>>) target(%dma_start3A_195 : memref<1x64xf32, #tpu.memory_space<vmem>>) target_semaphore(%arg8 : memref<!tpu.dma_semaphore, #tpu.memory_space<semaphore_mem>>)
      %eq3A_198 = arith.constant 6 : i32
      %eq3A_199 = vector.broadcast %eq3A_198 : i32 to vector<16xi32>
      %eq3A_200 = arith.cmpi eq, %iota3A, %eq3A_199 : vector<16xi32>
      %jit3A_201 = arith.constant 0 : i32
      %broadcast_in_dim3A_202 = vector.broadcast %jit3A_201 : i32 to vector<16xi32>
      %select_n3A_203 = arith.select %eq3A_200, %get3A_83, %broadcast_in_dim3A_202 : vector<16xi1>, vector<16xi32>
      %reduce_sum3A_204 = arith.constant true
      %reduce_sum3A_205 = vector.broadcast %reduce_sum3A_204 : i1 to vector<16xi1>
      %reduce_sum3A_206 = tpu.scan <sum>, %select_n3A_203 masked %reduce_sum3A_205 : vector<16xi32>, vector<16xi1> -> vector<16xi32>
      %reduce_sum3A_207 = vector.extract %reduce_sum3A_206[15] : i32 from vector<16xi32>
      %add3A_208 = arith.constant 6 : i32
      %add3A_209 = arith.addi %add3A_82, %add3A_208 : i32
      %dma_start3A_210 = arith.constant 0 : i32
      %dma_start3A_211 = tpu.memref_slice %arg6[%add3A_209, %dma_start3A_210] : memref<512x64xf32, #tpu.memory_space<vmem>> -> memref<1x64xf32, #tpu.memory_space<vmem>>
      %dma_start3A_212 = arith.constant 0 : i32
      %dma_start3A_213 = tpu.memref_slice %arg2[%reduce_sum3A_207, %dma_start3A_212] : memref<100000x64xf32, #tpu.memory_space<hbm>> -> memref<1x64xf32, #tpu.memory_space<hbm>>
      %dma_start3A_214 = arith.constant 0 : i32
      %dma_start3A_215 = tpu.memref_slice %arg6[%add3A_209, %dma_start3A_214] : memref<512x64xf32, #tpu.memory_space<vmem>> -> memref<1x64xf32, #tpu.memory_space<vmem>>
      %dma_start3A_216 = arith.constant 0 : i32
      %dma_start3A_217 = tpu.memref_slice %arg2[%reduce_sum3A_207, %dma_start3A_216] : memref<100000x64xf32, #tpu.memory_space<hbm>> -> memref<1x64xf32, #tpu.memory_space<hbm>>
      tpu.enqueue_dma source(%dma_start3A_217 : memref<1x64xf32, #tpu.memory_space<hbm>>) target(%dma_start3A_215 : memref<1x64xf32, #tpu.memory_space<vmem>>) target_semaphore(%arg8 : memref<!tpu.dma_semaphore, #tpu.memory_space<semaphore_mem>>)
      %eq3A_218 = arith.constant 7 : i32
      %eq3A_219 = vector.broadcast %eq3A_218 : i32 to vector<16xi32>
      %eq3A_220 = arith.cmpi eq, %iota3A, %eq3A_219 : vector<16xi32>
      %jit3A_221 = arith.constant 0 : i32
      %broadcast_in_dim3A_222 = vector.broadcast %jit3A_221 : i32 to vector<16xi32>
      %select_n3A_223 = arith.select %eq3A_220, %get3A_83, %broadcast_in_dim3A_222 : vector<16xi1>, vector<16xi32>
      %reduce_sum3A_224 = arith.constant true
      %reduce_sum3A_225 = vector.broadcast %reduce_sum3A_224 : i1 to vector<16xi1>
      %reduce_sum3A_226 = tpu.scan <sum>, %select_n3A_223 masked %reduce_sum3A_225 : vector<16xi32>, vector<16xi1> -> vector<16xi32>
      %reduce_sum3A_227 = vector.extract %reduce_sum3A_226[15] : i32 from vector<16xi32>
      %add3A_228 = arith.constant 7 : i32
      %add3A_229 = arith.addi %add3A_82, %add3A_228 : i32
      %dma_start3A_230 = arith.constant 0 : i32
      %dma_start3A_231 = tpu.memref_slice %arg6[%add3A_229, %dma_start3A_230] : memref<512x64xf32, #tpu.memory_space<vmem>> -> memref<1x64xf32, #tpu.memory_space<vmem>>
      %dma_start3A_232 = arith.constant 0 : i32
      %dma_start3A_233 = tpu.memref_slice %arg2[%reduce_sum3A_227, %dma_start3A_232] : memref<100000x64xf32, #tpu.memory_space<hbm>> -> memref<1x64xf32, #tpu.memory_space<hbm>>
      %dma_start3A_234 = arith.constant 0 : i32
      %dma_start3A_235 = tpu.memref_slice %arg6[%add3A_229, %dma_start3A_234] : memref<512x64xf32, #tpu.memory_space<vmem>> -> memref<1x64xf32, #tpu.memory_space<vmem>>
      %dma_start3A_236 = arith.constant 0 : i32
      %dma_start3A_237 = tpu.memref_slice %arg2[%reduce_sum3A_227, %dma_start3A_236] : memref<100000x64xf32, #tpu.memory_space<hbm>> -> memref<1x64xf32, #tpu.memory_space<hbm>>
      tpu.enqueue_dma source(%dma_start3A_237 : memref<1x64xf32, #tpu.memory_space<hbm>>) target(%dma_start3A_235 : memref<1x64xf32, #tpu.memory_space<vmem>>) target_semaphore(%arg8 : memref<!tpu.dma_semaphore, #tpu.memory_space<semaphore_mem>>)
      %eq3A_238 = arith.constant 8 : i32
      %eq3A_239 = vector.broadcast %eq3A_238 : i32 to vector<16xi32>
      %eq3A_240 = arith.cmpi eq, %iota3A, %eq3A_239 : vector<16xi32>
      %jit3A_241 = arith.constant 0 : i32
      %broadcast_in_dim3A_242 = vector.broadcast %jit3A_241 : i32 to vector<16xi32>
      %select_n3A_243 = arith.select %eq3A_240, %get3A_83, %broadcast_in_dim3A_242 : vector<16xi1>, vector<16xi32>
      %reduce_sum3A_244 = arith.constant true
      %reduce_sum3A_245 = vector.broadcast %reduce_sum3A_244 : i1 to vector<16xi1>
      %reduce_sum3A_246 = tpu.scan <sum>, %select_n3A_243 masked %reduce_sum3A_245 : vector<16xi32>, vector<16xi1> -> vector<16xi32>
      %reduce_sum3A_247 = vector.extract %reduce_sum3A_246[15] : i32 from vector<16xi32>
      %add3A_248 = arith.constant 8 : i32
      %add3A_249 = arith.addi %add3A_82, %add3A_248 : i32
      %dma_start3A_250 = arith.constant 0 : i32
      %dma_start3A_251 = tpu.memref_slice %arg6[%add3A_249, %dma_start3A_250] : memref<512x64xf32, #tpu.memory_space<vmem>> -> memref<1x64xf32, #tpu.memory_space<vmem>>
      %dma_start3A_252 = arith.constant 0 : i32
      %dma_start3A_253 = tpu.memref_slice %arg2[%reduce_sum3A_247, %dma_start3A_252] : memref<100000x64xf32, #tpu.memory_space<hbm>> -> memref<1x64xf32, #tpu.memory_space<hbm>>
      %dma_start3A_254 = arith.constant 0 : i32
      %dma_start3A_255 = tpu.memref_slice %arg6[%add3A_249, %dma_start3A_254] : memref<512x64xf32, #tpu.memory_space<vmem>> -> memref<1x64xf32, #tpu.memory_space<vmem>>
      %dma_start3A_256 = arith.constant 0 : i32
      %dma_start3A_257 = tpu.memref_slice %arg2[%reduce_sum3A_247, %dma_start3A_256] : memref<100000x64xf32, #tpu.memory_space<hbm>> -> memref<1x64xf32, #tpu.memory_space<hbm>>
      tpu.enqueue_dma source(%dma_start3A_257 : memref<1x64xf32, #tpu.memory_space<hbm>>) target(%dma_start3A_255 : memref<1x64xf32, #tpu.memory_space<vmem>>) target_semaphore(%arg8 : memref<!tpu.dma_semaphore, #tpu.memory_space<semaphore_mem>>)
      %eq3A_258 = arith.constant 9 : i32
      %eq3A_259 = vector.broadcast %eq3A_258 : i32 to vector<16xi32>
      %eq3A_260 = arith.cmpi eq, %iota3A, %eq3A_259 : vector<16xi32>
      %jit3A_261 = arith.constant 0 : i32
      %broadcast_in_dim3A_262 = vector.broadcast %jit3A_261 : i32 to vector<16xi32>
      %select_n3A_263 = arith.select %eq3A_260, %get3A_83, %broadcast_in_dim3A_262 : vector<16xi1>, vector<16xi32>
      %reduce_sum3A_264 = arith.constant true
      %reduce_sum3A_265 = vector.broadcast %reduce_sum3A_264 : i1 to vector<16xi1>
      %reduce_sum3A_266 = tpu.scan <sum>, %select_n3A_263 masked %reduce_sum3A_265 : vector<16xi32>, vector<16xi1> -> vector<16xi32>
      %reduce_sum3A_267 = vector.extract %reduce_sum3A_266[15] : i32 from vector<16xi32>
      %add3A_268 = arith.constant 9 : i32
      %add3A_269 = arith.addi %add3A_82, %add3A_268 : i32
      %dma_start3A_270 = arith.constant 0 : i32
      %dma_start3A_271 = tpu.memref_slice %arg6[%add3A_269, %dma_start3A_270] : memref<512x64xf32, #tpu.memory_space<vmem>> -> memref<1x64xf32, #tpu.memory_space<vmem>>
      %dma_start3A_272 = arith.constant 0 : i32
      %dma_start3A_273 = tpu.memref_slice %arg2[%reduce_sum3A_267, %dma_start3A_272] : memref<100000x64xf32, #tpu.memory_space<hbm>> -> memref<1x64xf32, #tpu.memory_space<hbm>>
      %dma_start3A_274 = arith.constant 0 : i32
      %dma_start3A_275 = tpu.memref_slice %arg6[%add3A_269, %dma_start3A_274] : memref<512x64xf32, #tpu.memory_space<vmem>> -> memref<1x64xf32, #tpu.memory_space<vmem>>
      %dma_start3A_276 = arith.constant 0 : i32
      %dma_start3A_277 = tpu.memref_slice %arg2[%reduce_sum3A_267, %dma_start3A_276] : memref<100000x64xf32, #tpu.memory_space<hbm>> -> memref<1x64xf32, #tpu.memory_space<hbm>>
      tpu.enqueue_dma source(%dma_start3A_277 : memref<1x64xf32, #tpu.memory_space<hbm>>) target(%dma_start3A_275 : memref<1x64xf32, #tpu.memory_space<vmem>>) target_semaphore(%arg8 : memref<!tpu.dma_semaphore, #tpu.memory_space<semaphore_mem>>)
      %eq3A_278 = arith.constant 10 : i32
      %eq3A_279 = vector.broadcast %eq3A_278 : i32 to vector<16xi32>
      %eq3A_280 = arith.cmpi eq, %iota3A, %eq3A_279 : vector<16xi32>
      %jit3A_281 = arith.constant 0 : i32
      %broadcast_in_dim3A_282 = vector.broadcast %jit3A_281 : i32 to vector<16xi32>
      %select_n3A_283 = arith.select %eq3A_280, %get3A_83, %broadcast_in_dim3A_282 : vector<16xi1>, vector<16xi32>
      %reduce_sum3A_284 = arith.constant true
      %reduce_sum3A_285 = vector.broadcast %reduce_sum3A_284 : i1 to vector<16xi1>
      %reduce_sum3A_286 = tpu.scan <sum>, %select_n3A_283 masked %reduce_sum3A_285 : vector<16xi32>, vector<16xi1> -> vector<16xi32>
      %reduce_sum3A_287 = vector.extract %reduce_sum3A_286[15] : i32 from vector<16xi32>
      %add3A_288 = arith.constant 10 : i32
      %add3A_289 = arith.addi %add3A_82, %add3A_288 : i32
      %dma_start3A_290 = arith.constant 0 : i32
      %dma_start3A_291 = tpu.memref_slice %arg6[%add3A_289, %dma_start3A_290] : memref<512x64xf32, #tpu.memory_space<vmem>> -> memref<1x64xf32, #tpu.memory_space<vmem>>
      %dma_start3A_292 = arith.constant 0 : i32
      %dma_start3A_293 = tpu.memref_slice %arg2[%reduce_sum3A_287, %dma_start3A_292] : memref<100000x64xf32, #tpu.memory_space<hbm>> -> memref<1x64xf32, #tpu.memory_space<hbm>>
      %dma_start3A_294 = arith.constant 0 : i32
      %dma_start3A_295 = tpu.memref_slice %arg6[%add3A_289, %dma_start3A_294] : memref<512x64xf32, #tpu.memory_space<vmem>> -> memref<1x64xf32, #tpu.memory_space<vmem>>
      %dma_start3A_296 = arith.constant 0 : i32
      %dma_start3A_297 = tpu.memref_slice %arg2[%reduce_sum3A_287, %dma_start3A_296] : memref<100000x64xf32, #tpu.memory_space<hbm>> -> memref<1x64xf32, #tpu.memory_space<hbm>>
      tpu.enqueue_dma source(%dma_start3A_297 : memref<1x64xf32, #tpu.memory_space<hbm>>) target(%dma_start3A_295 : memref<1x64xf32, #tpu.memory_space<vmem>>) target_semaphore(%arg8 : memref<!tpu.dma_semaphore, #tpu.memory_space<semaphore_mem>>)
      %eq3A_298 = arith.constant 11 : i32
      %eq3A_299 = vector.broadcast %eq3A_298 : i32 to vector<16xi32>
      %eq3A_300 = arith.cmpi eq, %iota3A, %eq3A_299 : vector<16xi32>
      %jit3A_301 = arith.constant 0 : i32
      %broadcast_in_dim3A_302 = vector.broadcast %jit3A_301 : i32 to vector<16xi32>
      %select_n3A_303 = arith.select %eq3A_300, %get3A_83, %broadcast_in_dim3A_302 : vector<16xi1>, vector<16xi32>
      %reduce_sum3A_304 = arith.constant true
      %reduce_sum3A_305 = vector.broadcast %reduce_sum3A_304 : i1 to vector<16xi1>
      %reduce_sum3A_306 = tpu.scan <sum>, %select_n3A_303 masked %reduce_sum3A_305 : vector<16xi32>, vector<16xi1> -> vector<16xi32>
      %reduce_sum3A_307 = vector.extract %reduce_sum3A_306[15] : i32 from vector<16xi32>
      %add3A_308 = arith.constant 11 : i32
      %add3A_309 = arith.addi %add3A_82, %add3A_308 : i32
      %dma_start3A_310 = arith.constant 0 : i32
      %dma_start3A_311 = tpu.memref_slice %arg6[%add3A_309, %dma_start3A_310] : memref<512x64xf32, #tpu.memory_space<vmem>> -> memref<1x64xf32, #tpu.memory_space<vmem>>
      %dma_start3A_312 = arith.constant 0 : i32
      %dma_start3A_313 = tpu.memref_slice %arg2[%reduce_sum3A_307, %dma_start3A_312] : memref<100000x64xf32, #tpu.memory_space<hbm>> -> memref<1x64xf32, #tpu.memory_space<hbm>>
      %dma_start3A_314 = arith.constant 0 : i32
      %dma_start3A_315 = tpu.memref_slice %arg6[%add3A_309, %dma_start3A_314] : memref<512x64xf32, #tpu.memory_space<vmem>> -> memref<1x64xf32, #tpu.memory_space<vmem>>
      %dma_start3A_316 = arith.constant 0 : i32
      %dma_start3A_317 = tpu.memref_slice %arg2[%reduce_sum3A_307, %dma_start3A_316] : memref<100000x64xf32, #tpu.memory_space<hbm>> -> memref<1x64xf32, #tpu.memory_space<hbm>>
      tpu.enqueue_dma source(%dma_start3A_317 : memref<1x64xf32, #tpu.memory_space<hbm>>) target(%dma_start3A_315 : memref<1x64xf32, #tpu.memory_space<vmem>>) target_semaphore(%arg8 : memref<!tpu.dma_semaphore, #tpu.memory_space<semaphore_mem>>)
      %eq3A_318 = arith.constant 12 : i32
      %eq3A_319 = vector.broadcast %eq3A_318 : i32 to vector<16xi32>
      %eq3A_320 = arith.cmpi eq, %iota3A, %eq3A_319 : vector<16xi32>
      %jit3A_321 = arith.constant 0 : i32
      %broadcast_in_dim3A_322 = vector.broadcast %jit3A_321 : i32 to vector<16xi32>
      %select_n3A_323 = arith.select %eq3A_320, %get3A_83, %broadcast_in_dim3A_322 : vector<16xi1>, vector<16xi32>
      %reduce_sum3A_324 = arith.constant true
      %reduce_sum3A_325 = vector.broadcast %reduce_sum3A_324 : i1 to vector<16xi1>
      %reduce_sum3A_326 = tpu.scan <sum>, %select_n3A_323 masked %reduce_sum3A_325 : vector<16xi32>, vector<16xi1> -> vector<16xi32>
      %reduce_sum3A_327 = vector.extract %reduce_sum3A_326[15] : i32 from vector<16xi32>
      %add3A_328 = arith.constant 12 : i32
      %add3A_329 = arith.addi %add3A_82, %add3A_328 : i32
      %dma_start3A_330 = arith.constant 0 : i32
      %dma_start3A_331 = tpu.memref_slice %arg6[%add3A_329, %dma_start3A_330] : memref<512x64xf32, #tpu.memory_space<vmem>> -> memref<1x64xf32, #tpu.memory_space<vmem>>
      %dma_start3A_332 = arith.constant 0 : i32
      %dma_start3A_333 = tpu.memref_slice %arg2[%reduce_sum3A_327, %dma_start3A_332] : memref<100000x64xf32, #tpu.memory_space<hbm>> -> memref<1x64xf32, #tpu.memory_space<hbm>>
      %dma_start3A_334 = arith.constant 0 : i32
      %dma_start3A_335 = tpu.memref_slice %arg6[%add3A_329, %dma_start3A_334] : memref<512x64xf32, #tpu.memory_space<vmem>> -> memref<1x64xf32, #tpu.memory_space<vmem>>
      %dma_start3A_336 = arith.constant 0 : i32
      %dma_start3A_337 = tpu.memref_slice %arg2[%reduce_sum3A_327, %dma_start3A_336] : memref<100000x64xf32, #tpu.memory_space<hbm>> -> memref<1x64xf32, #tpu.memory_space<hbm>>
      tpu.enqueue_dma source(%dma_start3A_337 : memref<1x64xf32, #tpu.memory_space<hbm>>) target(%dma_start3A_335 : memref<1x64xf32, #tpu.memory_space<vmem>>) target_semaphore(%arg8 : memref<!tpu.dma_semaphore, #tpu.memory_space<semaphore_mem>>)
      %eq3A_338 = arith.constant 13 : i32
      %eq3A_339 = vector.broadcast %eq3A_338 : i32 to vector<16xi32>
      %eq3A_340 = arith.cmpi eq, %iota3A, %eq3A_339 : vector<16xi32>
      %jit3A_341 = arith.constant 0 : i32
      %broadcast_in_dim3A_342 = vector.broadcast %jit3A_341 : i32 to vector<16xi32>
      %select_n3A_343 = arith.select %eq3A_340, %get3A_83, %broadcast_in_dim3A_342 : vector<16xi1>, vector<16xi32>
      %reduce_sum3A_344 = arith.constant true
      %reduce_sum3A_345 = vector.broadcast %reduce_sum3A_344 : i1 to vector<16xi1>
      %reduce_sum3A_346 = tpu.scan <sum>, %select_n3A_343 masked %reduce_sum3A_345 : vector<16xi32>, vector<16xi1> -> vector<16xi32>
      %reduce_sum3A_347 = vector.extract %reduce_sum3A_346[15] : i32 from vector<16xi32>
      %add3A_348 = arith.constant 13 : i32
      %add3A_349 = arith.addi %add3A_82, %add3A_348 : i32
      %dma_start3A_350 = arith.constant 0 : i32
      %dma_start3A_351 = tpu.memref_slice %arg6[%add3A_349, %dma_start3A_350] : memref<512x64xf32, #tpu.memory_space<vmem>> -> memref<1x64xf32, #tpu.memory_space<vmem>>
      %dma_start3A_352 = arith.constant 0 : i32
      %dma_start3A_353 = tpu.memref_slice %arg2[%reduce_sum3A_347, %dma_start3A_352] : memref<100000x64xf32, #tpu.memory_space<hbm>> -> memref<1x64xf32, #tpu.memory_space<hbm>>
      %dma_start3A_354 = arith.constant 0 : i32
      %dma_start3A_355 = tpu.memref_slice %arg6[%add3A_349, %dma_start3A_354] : memref<512x64xf32, #tpu.memory_space<vmem>> -> memref<1x64xf32, #tpu.memory_space<vmem>>
      %dma_start3A_356 = arith.constant 0 : i32
      %dma_start3A_357 = tpu.memref_slice %arg2[%reduce_sum3A_347, %dma_start3A_356] : memref<100000x64xf32, #tpu.memory_space<hbm>> -> memref<1x64xf32, #tpu.memory_space<hbm>>
      tpu.enqueue_dma source(%dma_start3A_357 : memref<1x64xf32, #tpu.memory_space<hbm>>) target(%dma_start3A_355 : memref<1x64xf32, #tpu.memory_space<vmem>>) target_semaphore(%arg8 : memref<!tpu.dma_semaphore, #tpu.memory_space<semaphore_mem>>)
      %eq3A_358 = arith.constant 14 : i32
      %eq3A_359 = vector.broadcast %eq3A_358 : i32 to vector<16xi32>
      %eq3A_360 = arith.cmpi eq, %iota3A, %eq3A_359 : vector<16xi32>
      %jit3A_361 = arith.constant 0 : i32
      %broadcast_in_dim3A_362 = vector.broadcast %jit3A_361 : i32 to vector<16xi32>
      %select_n3A_363 = arith.select %eq3A_360, %get3A_83, %broadcast_in_dim3A_362 : vector<16xi1>, vector<16xi32>
      %reduce_sum3A_364 = arith.constant true
      %reduce_sum3A_365 = vector.broadcast %reduce_sum3A_364 : i1 to vector<16xi1>
      %reduce_sum3A_366 = tpu.scan <sum>, %select_n3A_363 masked %reduce_sum3A_365 : vector<16xi32>, vector<16xi1> -> vector<16xi32>
      %reduce_sum3A_367 = vector.extract %reduce_sum3A_366[15] : i32 from vector<16xi32>
      %add3A_368 = arith.constant 14 : i32
      %add3A_369 = arith.addi %add3A_82, %add3A_368 : i32
      %dma_start3A_370 = arith.constant 0 : i32
      %dma_start3A_371 = tpu.memref_slice %arg6[%add3A_369, %dma_start3A_370] : memref<512x64xf32, #tpu.memory_space<vmem>> -> memref<1x64xf32, #tpu.memory_space<vmem>>
      %dma_start3A_372 = arith.constant 0 : i32
      %dma_start3A_373 = tpu.memref_slice %arg2[%reduce_sum3A_367, %dma_start3A_372] : memref<100000x64xf32, #tpu.memory_space<hbm>> -> memref<1x64xf32, #tpu.memory_space<hbm>>
      %dma_start3A_374 = arith.constant 0 : i32
      %dma_start3A_375 = tpu.memref_slice %arg6[%add3A_369, %dma_start3A_374] : memref<512x64xf32, #tpu.memory_space<vmem>> -> memref<1x64xf32, #tpu.memory_space<vmem>>
      %dma_start3A_376 = arith.constant 0 : i32
      %dma_start3A_377 = tpu.memref_slice %arg2[%reduce_sum3A_367, %dma_start3A_376] : memref<100000x64xf32, #tpu.memory_space<hbm>> -> memref<1x64xf32, #tpu.memory_space<hbm>>
      tpu.enqueue_dma source(%dma_start3A_377 : memref<1x64xf32, #tpu.memory_space<hbm>>) target(%dma_start3A_375 : memref<1x64xf32, #tpu.memory_space<vmem>>) target_semaphore(%arg8 : memref<!tpu.dma_semaphore, #tpu.memory_space<semaphore_mem>>)
      %eq3A_378 = arith.constant 15 : i32
      %eq3A_379 = vector.broadcast %eq3A_378 : i32 to vector<16xi32>
      %eq3A_380 = arith.cmpi eq, %iota3A, %eq3A_379 : vector<16xi32>
      %jit3A_381 = arith.constant 0 : i32
      %broadcast_in_dim3A_382 = vector.broadcast %jit3A_381 : i32 to vector<16xi32>
      %select_n3A_383 = arith.select %eq3A_380, %get3A_83, %broadcast_in_dim3A_382 : vector<16xi1>, vector<16xi32>
      %reduce_sum3A_384 = arith.constant true
      %reduce_sum3A_385 = vector.broadcast %reduce_sum3A_384 : i1 to vector<16xi1>
      %reduce_sum3A_386 = tpu.scan <sum>, %select_n3A_383 masked %reduce_sum3A_385 : vector<16xi32>, vector<16xi1> -> vector<16xi32>
      %reduce_sum3A_387 = vector.extract %reduce_sum3A_386[15] : i32 from vector<16xi32>
      %add3A_388 = arith.constant 15 : i32
      %add3A_389 = arith.addi %add3A_82, %add3A_388 : i32
      %dma_start3A_390 = arith.constant 0 : i32
      %dma_start3A_391 = tpu.memref_slice %arg6[%add3A_389, %dma_start3A_390] : memref<512x64xf32, #tpu.memory_space<vmem>> -> memref<1x64xf32, #tpu.memory_space<vmem>>
      %dma_start3A_392 = arith.constant 0 : i32
      %dma_start3A_393 = tpu.memref_slice %arg2[%reduce_sum3A_387, %dma_start3A_392] : memref<100000x64xf32, #tpu.memory_space<hbm>> -> memref<1x64xf32, #tpu.memory_space<hbm>>
      %dma_start3A_394 = arith.constant 0 : i32
      %dma_start3A_395 = tpu.memref_slice %arg6[%add3A_389, %dma_start3A_394] : memref<512x64xf32, #tpu.memory_space<vmem>> -> memref<1x64xf32, #tpu.memory_space<vmem>>
      %dma_start3A_396 = arith.constant 0 : i32
      %dma_start3A_397 = tpu.memref_slice %arg2[%reduce_sum3A_387, %dma_start3A_396] : memref<100000x64xf32, #tpu.memory_space<hbm>> -> memref<1x64xf32, #tpu.memory_space<hbm>>
      tpu.enqueue_dma source(%dma_start3A_397 : memref<1x64xf32, #tpu.memory_space<hbm>>) target(%dma_start3A_395 : memref<1x64xf32, #tpu.memory_space<vmem>>) target_semaphore(%arg8 : memref<!tpu.dma_semaphore, #tpu.memory_space<semaphore_mem>>)
      %ge3A = arith.constant 192 : i32
      %ge3A_398 = arith.cmpi sge, %add3A_82, %ge3A : i32
      %convert_element_type3A = arith.extui %ge3A_398 : i1 to i32
      %cond3A = arith.constant 0 : i32
      %cond3A_399 = arith.cmpi ne, %convert_element_type3A, %cond3A : i32
      scf.if %cond3A_399 {
        %dma_wait3A_400 = arith.constant 0 : i32
        %dma_wait3A_401 = arith.constant 0 : i32
        %dma_wait3A_402 = tpu.memref_slice %arg2[%dma_wait3A_400, %dma_wait3A_401] : memref<100000x64xf32, #tpu.memory_space<hbm>> -> memref<16x64xf32, #tpu.memory_space<hbm>>
        %dma_wait3A_403 = arith.constant 0 : i32
        %dma_wait3A_404 = arith.constant 0 : i32
        %dma_wait3A_405 = tpu.memref_slice %arg2[%dma_wait3A_403, %dma_wait3A_404] : memref<100000x64xf32, #tpu.memory_space<hbm>> -> memref<16x64xf32, #tpu.memory_space<hbm>>
        tpu.wait_dma2 semaphore(%arg8 : memref<!tpu.dma_semaphore, #tpu.memory_space<semaphore_mem>>) src(%dma_wait3A_405 : memref<16x64xf32, #tpu.memory_space<hbm>>) dst(%arg7 : memref<16x64xf32, #tpu.memory_space<vmem>>)
      } else {
      }
    }
    %scan3A_6 = arith.constant 32 : i32
    %dma_wait3A = arith.constant 0 : i32
    %dma_wait3A_7 = arith.constant 0 : i32
    %dma_wait3A_8 = tpu.memref_slice %arg2[%dma_wait3A, %dma_wait3A_7] : memref<100000x64xf32, #tpu.memory_space<hbm>> -> memref<16x64xf32, #tpu.memory_space<hbm>>
    %dma_wait3A_9 = arith.constant 0 : i32
    %dma_wait3A_10 = arith.constant 0 : i32
    %dma_wait3A_11 = tpu.memref_slice %arg2[%dma_wait3A_9, %dma_wait3A_10] : memref<100000x64xf32, #tpu.memory_space<hbm>> -> memref<16x64xf32, #tpu.memory_space<hbm>>
    tpu.wait_dma2 semaphore(%arg8 : memref<!tpu.dma_semaphore, #tpu.memory_space<semaphore_mem>>) src(%dma_wait3A_11 : memref<16x64xf32, #tpu.memory_space<hbm>>) dst(%arg7 : memref<16x64xf32, #tpu.memory_space<vmem>>)
    %dma_wait3A_12 = arith.constant 0 : i32
    %dma_wait3A_13 = arith.constant 0 : i32
    %dma_wait3A_14 = tpu.memref_slice %arg2[%dma_wait3A_12, %dma_wait3A_13] : memref<100000x64xf32, #tpu.memory_space<hbm>> -> memref<16x64xf32, #tpu.memory_space<hbm>>
    %dma_wait3A_15 = arith.constant 0 : i32
    %dma_wait3A_16 = arith.constant 0 : i32
    %dma_wait3A_17 = tpu.memref_slice %arg2[%dma_wait3A_15, %dma_wait3A_16] : memref<100000x64xf32, #tpu.memory_space<hbm>> -> memref<16x64xf32, #tpu.memory_space<hbm>>
    tpu.wait_dma2 semaphore(%arg8 : memref<!tpu.dma_semaphore, #tpu.memory_space<semaphore_mem>>) src(%dma_wait3A_17 : memref<16x64xf32, #tpu.memory_space<hbm>>) dst(%arg7 : memref<16x64xf32, #tpu.memory_space<vmem>>)
    %dma_wait3A_18 = arith.constant 0 : i32
    %dma_wait3A_19 = arith.constant 0 : i32
    %dma_wait3A_20 = tpu.memref_slice %arg2[%dma_wait3A_18, %dma_wait3A_19] : memref<100000x64xf32, #tpu.memory_space<hbm>> -> memref<16x64xf32, #tpu.memory_space<hbm>>
    %dma_wait3A_21 = arith.constant 0 : i32
    %dma_wait3A_22 = arith.constant 0 : i32
    %dma_wait3A_23 = tpu.memref_slice %arg2[%dma_wait3A_21, %dma_wait3A_22] : memref<100000x64xf32, #tpu.memory_space<hbm>> -> memref<16x64xf32, #tpu.memory_space<hbm>>
    tpu.wait_dma2 semaphore(%arg8 : memref<!tpu.dma_semaphore, #tpu.memory_space<semaphore_mem>>) src(%dma_wait3A_23 : memref<16x64xf32, #tpu.memory_space<hbm>>) dst(%arg7 : memref<16x64xf32, #tpu.memory_space<vmem>>)
    %dma_wait3A_24 = arith.constant 0 : i32
    %dma_wait3A_25 = arith.constant 0 : i32
    %dma_wait3A_26 = tpu.memref_slice %arg2[%dma_wait3A_24, %dma_wait3A_25] : memref<100000x64xf32, #tpu.memory_space<hbm>> -> memref<16x64xf32, #tpu.memory_space<hbm>>
    %dma_wait3A_27 = arith.constant 0 : i32
    %dma_wait3A_28 = arith.constant 0 : i32
    %dma_wait3A_29 = tpu.memref_slice %arg2[%dma_wait3A_27, %dma_wait3A_28] : memref<100000x64xf32, #tpu.memory_space<hbm>> -> memref<16x64xf32, #tpu.memory_space<hbm>>
    tpu.wait_dma2 semaphore(%arg8 : memref<!tpu.dma_semaphore, #tpu.memory_space<semaphore_mem>>) src(%dma_wait3A_29 : memref<16x64xf32, #tpu.memory_space<hbm>>) dst(%arg7 : memref<16x64xf32, #tpu.memory_space<vmem>>)
    %dma_wait3A_30 = arith.constant 0 : i32
    %dma_wait3A_31 = arith.constant 0 : i32
    %dma_wait3A_32 = tpu.memref_slice %arg2[%dma_wait3A_30, %dma_wait3A_31] : memref<100000x64xf32, #tpu.memory_space<hbm>> -> memref<16x64xf32, #tpu.memory_space<hbm>>
    %dma_wait3A_33 = arith.constant 0 : i32
    %dma_wait3A_34 = arith.constant 0 : i32
    %dma_wait3A_35 = tpu.memref_slice %arg2[%dma_wait3A_33, %dma_wait3A_34] : memref<100000x64xf32, #tpu.memory_space<hbm>> -> memref<16x64xf32, #tpu.memory_space<hbm>>
    tpu.wait_dma2 semaphore(%arg8 : memref<!tpu.dma_semaphore, #tpu.memory_space<semaphore_mem>>) src(%dma_wait3A_35 : memref<16x64xf32, #tpu.memory_space<hbm>>) dst(%arg7 : memref<16x64xf32, #tpu.memory_space<vmem>>)
    %dma_wait3A_36 = arith.constant 0 : i32
    %dma_wait3A_37 = arith.constant 0 : i32
    %dma_wait3A_38 = tpu.memref_slice %arg2[%dma_wait3A_36, %dma_wait3A_37] : memref<100000x64xf32, #tpu.memory_space<hbm>> -> memref<16x64xf32, #tpu.memory_space<hbm>>
    %dma_wait3A_39 = arith.constant 0 : i32
    %dma_wait3A_40 = arith.constant 0 : i32
    %dma_wait3A_41 = tpu.memref_slice %arg2[%dma_wait3A_39, %dma_wait3A_40] : memref<100000x64xf32, #tpu.memory_space<hbm>> -> memref<16x64xf32, #tpu.memory_space<hbm>>
    tpu.wait_dma2 semaphore(%arg8 : memref<!tpu.dma_semaphore, #tpu.memory_space<semaphore_mem>>) src(%dma_wait3A_41 : memref<16x64xf32, #tpu.memory_space<hbm>>) dst(%arg7 : memref<16x64xf32, #tpu.memory_space<vmem>>)
    %dma_wait3A_42 = arith.constant 0 : i32
    %dma_wait3A_43 = arith.constant 0 : i32
    %dma_wait3A_44 = tpu.memref_slice %arg2[%dma_wait3A_42, %dma_wait3A_43] : memref<100000x64xf32, #tpu.memory_space<hbm>> -> memref<16x64xf32, #tpu.memory_space<hbm>>
    %dma_wait3A_45 = arith.constant 0 : i32
    %dma_wait3A_46 = arith.constant 0 : i32
    %dma_wait3A_47 = tpu.memref_slice %arg2[%dma_wait3A_45, %dma_wait3A_46] : memref<100000x64xf32, #tpu.memory_space<hbm>> -> memref<16x64xf32, #tpu.memory_space<hbm>>
    tpu.wait_dma2 semaphore(%arg8 : memref<!tpu.dma_semaphore, #tpu.memory_space<semaphore_mem>>) src(%dma_wait3A_47 : memref<16x64xf32, #tpu.memory_space<hbm>>) dst(%arg7 : memref<16x64xf32, #tpu.memory_space<vmem>>)
    %dma_wait3A_48 = arith.constant 0 : i32
    %dma_wait3A_49 = arith.constant 0 : i32
    %dma_wait3A_50 = tpu.memref_slice %arg2[%dma_wait3A_48, %dma_wait3A_49] : memref<100000x64xf32, #tpu.memory_space<hbm>> -> memref<16x64xf32, #tpu.memory_space<hbm>>
    %dma_wait3A_51 = arith.constant 0 : i32
    %dma_wait3A_52 = arith.constant 0 : i32
    %dma_wait3A_53 = tpu.memref_slice %arg2[%dma_wait3A_51, %dma_wait3A_52] : memref<100000x64xf32, #tpu.memory_space<hbm>> -> memref<16x64xf32, #tpu.memory_space<hbm>>
    tpu.wait_dma2 semaphore(%arg8 : memref<!tpu.dma_semaphore, #tpu.memory_space<semaphore_mem>>) src(%dma_wait3A_53 : memref<16x64xf32, #tpu.memory_space<hbm>>) dst(%arg7 : memref<16x64xf32, #tpu.memory_space<vmem>>)
    %dma_wait3A_54 = arith.constant 0 : i32
    %dma_wait3A_55 = arith.constant 0 : i32
    %dma_wait3A_56 = tpu.memref_slice %arg2[%dma_wait3A_54, %dma_wait3A_55] : memref<100000x64xf32, #tpu.memory_space<hbm>> -> memref<16x64xf32, #tpu.memory_space<hbm>>
    %dma_wait3A_57 = arith.constant 0 : i32
    %dma_wait3A_58 = arith.constant 0 : i32
    %dma_wait3A_59 = tpu.memref_slice %arg2[%dma_wait3A_57, %dma_wait3A_58] : memref<100000x64xf32, #tpu.memory_space<hbm>> -> memref<16x64xf32, #tpu.memory_space<hbm>>
    tpu.wait_dma2 semaphore(%arg8 : memref<!tpu.dma_semaphore, #tpu.memory_space<semaphore_mem>>) src(%dma_wait3A_59 : memref<16x64xf32, #tpu.memory_space<hbm>>) dst(%arg7 : memref<16x64xf32, #tpu.memory_space<vmem>>)
    %dma_wait3A_60 = arith.constant 0 : i32
    %dma_wait3A_61 = arith.constant 0 : i32
    %dma_wait3A_62 = tpu.memref_slice %arg2[%dma_wait3A_60, %dma_wait3A_61] : memref<100000x64xf32, #tpu.memory_space<hbm>> -> memref<16x64xf32, #tpu.memory_space<hbm>>
    %dma_wait3A_63 = arith.constant 0 : i32
    %dma_wait3A_64 = arith.constant 0 : i32
    %dma_wait3A_65 = tpu.memref_slice %arg2[%dma_wait3A_63, %dma_wait3A_64] : memref<100000x64xf32, #tpu.memory_space<hbm>> -> memref<16x64xf32, #tpu.memory_space<hbm>>
    tpu.wait_dma2 semaphore(%arg8 : memref<!tpu.dma_semaphore, #tpu.memory_space<semaphore_mem>>) src(%dma_wait3A_65 : memref<16x64xf32, #tpu.memory_space<hbm>>) dst(%arg7 : memref<16x64xf32, #tpu.memory_space<vmem>>)
    %dma_wait3A_66 = arith.constant 0 : i32
    %dma_wait3A_67 = arith.constant 0 : i32
    %dma_wait3A_68 = tpu.memref_slice %arg2[%dma_wait3A_66, %dma_wait3A_67] : memref<100000x64xf32, #tpu.memory_space<hbm>> -> memref<16x64xf32, #tpu.memory_space<hbm>>
    %dma_wait3A_69 = arith.constant 0 : i32
    %dma_wait3A_70 = arith.constant 0 : i32
    %dma_wait3A_71 = tpu.memref_slice %arg2[%dma_wait3A_69, %dma_wait3A_70] : memref<100000x64xf32, #tpu.memory_space<hbm>> -> memref<16x64xf32, #tpu.memory_space<hbm>>
    tpu.wait_dma2 semaphore(%arg8 : memref<!tpu.dma_semaphore, #tpu.memory_space<semaphore_mem>>) src(%dma_wait3A_71 : memref<16x64xf32, #tpu.memory_space<hbm>>) dst(%arg7 : memref<16x64xf32, #tpu.memory_space<vmem>>)
    %dma_wait3A_72 = arith.constant 0 : i32
    %dma_wait3A_73 = arith.constant 0 : i32
    %dma_wait3A_74 = tpu.memref_slice %arg2[%dma_wait3A_72, %dma_wait3A_73] : memref<100000x64xf32, #tpu.memory_space<hbm>> -> memref<16x64xf32, #tpu.memory_space<hbm>>
    %dma_wait3A_75 = arith.constant 0 : i32
    %dma_wait3A_76 = arith.constant 0 : i32
    %dma_wait3A_77 = tpu.memref_slice %arg2[%dma_wait3A_75, %dma_wait3A_76] : memref<100000x64xf32, #tpu.memory_space<hbm>> -> memref<16x64xf32, #tpu.memory_space<hbm>>
    tpu.wait_dma2 semaphore(%arg8 : memref<!tpu.dma_semaphore, #tpu.memory_space<semaphore_mem>>) src(%dma_wait3A_77 : memref<16x64xf32, #tpu.memory_space<hbm>>) dst(%arg7 : memref<16x64xf32, #tpu.memory_space<vmem>>)
    "tpu.region"() ({
      %run_scoped3A = tpu.sem_alloc : memref<!tpu.dma_semaphore, #tpu.memory_space<semaphore_mem>>
      %dma_start3A = arith.constant 0 : i32
      %dma_start3A_78 = tpu.memref_slice %arg4[%mul3A_2, %dma_start3A] : memref<16384x64xf32, #tpu.memory_space<hbm>> -> memref<512x64xf32, #tpu.memory_space<hbm>>
      %dma_start3A_79 = arith.constant 0 : i32
      %dma_start3A_80 = tpu.memref_slice %arg4[%mul3A_2, %dma_start3A_79] : memref<16384x64xf32, #tpu.memory_space<hbm>> -> memref<512x64xf32, #tpu.memory_space<hbm>>
      tpu.enqueue_dma source(%arg6 : memref<512x64xf32, #tpu.memory_space<vmem>>) target(%dma_start3A_80 : memref<512x64xf32, #tpu.memory_space<hbm>>) target_semaphore(%run_scoped3A : memref<!tpu.dma_semaphore, #tpu.memory_space<semaphore_mem>>)
      %dma_wait3A_81 = arith.constant 0 : i32
      %dma_wait3A_82 = tpu.memref_slice %arg4[%mul3A_2, %dma_wait3A_81] : memref<16384x64xf32, #tpu.memory_space<hbm>> -> memref<512x64xf32, #tpu.memory_space<hbm>>
      %dma_wait3A_83 = arith.constant 0 : i32
      %dma_wait3A_84 = tpu.memref_slice %arg4[%mul3A_2, %dma_wait3A_83] : memref<16384x64xf32, #tpu.memory_space<hbm>> -> memref<512x64xf32, #tpu.memory_space<hbm>>
      tpu.wait_dma2 semaphore(%run_scoped3A : memref<!tpu.dma_semaphore, #tpu.memory_space<semaphore_mem>>) src(%arg6 : memref<512x64xf32, #tpu.memory_space<vmem>>) dst(%dma_wait3A_84 : memref<512x64xf32, #tpu.memory_space<hbm>>)
      tpu.yield
    }) : () -> ()
    return
  }
}

</mosaic_0001>

<sc_bundles>
// kernel: kernel.3.cloned.1.call-start
scs
__scs_entry_jumppad:
0x0: {  	(pc) =	sbr.rel $0x88, $3  }
0x1: {  	(tag) =	ssettag $0x0;
	lr =	simm.s32 $0x1  }
0x2: {  	[smem:$0x3F9F] =	sst lr;
	_ =	strace $0xD0000000  }
0x3: {  	_ = 	snop  }
0x4: {  	_ = 	snop  }
0x5: {  	_ = 	snop  }
0x6: {  	_ = 	snop  }
0x7: {  	_ = 	snop  }
__scs_overlays_trampoline_lowered:
0x8: {  	[smem:$0x3FAE] =	sst s0  }
0x9: {  	[smem:$0x3FAF] =	sst s1  }
0xa: {  	[smem:$0x3FB0] =	sst s2  }
0xb: {  	[smem:$0x3FB1] =	sst s3  }
0xc: {  	[smem:$0x3FB2] =	sst s4  }
0xd: {  	[smem:$0x3FB3] =	sst s5  }
0xe: {  	[smem:$0x3FB4] =	sst s6  }
0xf: {  	[smem:$0x3FB5] =	sst s7  }
0x10: {  	[smem:$0x3FB6] =	sst s8  }
0x11: {  	[smem:$0x3FB7] =	sst s9;
	s0 =	simm.s32 @!p0 $0x0  }
0x12: {  	s1 =	sld [smem:$0x3F9D];
	s0 =	simm.s32 @p0 $0x1  }
0x13: {  	[smem:$0x3FB8] =	sst s0;
	s0 =	simm.s32 @!p1 $0x0  }
0x14: {  	s2 =	sld [smem:$0x3F9C];
	s0 =	simm.s32 @p1 $0x1  }
0x15: {  	[smem:$0x3FB9] =	sst s0;
	s0 =	simm.s32 @!p2 $0x0  }
0x16: {  	s3 =	sld [smem:$0x3FDB];
	s0 =	simm.s32 @p2 $0x1  }
0x17: {  	s4 =	simm.s32 $0x1BF5;
	[smem:$0x3FBB] =	sst s0  }
0x18: {  	s0 =	sld [smem:$0x3F9E];
	_ =	swait.ge [sflag:s4], $0x0  }
0x19: {  	s7 =	sld [smem:$0x3F9F]  }
0x1a: {  	s8 =	sadd.s32 $0xFFFFE003, lr  }
0x1b: {  	s9 =	sadd.s32 $0xFFFFFEF7, lr;
	s5 =	simm.s32 $0xFFFFFFFF;
	p2 =	slt.u32 s8, $0xFFFFF086  }
0x1c: {  	p1 =	slt.u32 s9, $0xF7A;
	s5 =	simm.s32 @!p2 $0x0  }
0x1d: {  	s5 =	simm.s32 @p1 $0x1;
	p0 =	seq.s32 s7, s2  }
0x1e: {  	s7 =	smul.u32 @!p0 $0xF7A, s2;
	p2 =	seq.s32 @!p0 s5, $0x0  }
0x1f: {  	s9 =	smul.u32 $0xF7A, s1;
	s8 =	simm.s32 @!p0 $0x1BF5;
	p2 =	por !p2, p0  }
0x20: {  	[sflag:s8] =	ssyncset.s32 @!p0 $0xFFFFF086;
	s6 =	sadd.s32 @!p0 s3, s7;
	s7 =	simm.s32 @!p0 $0x108  }
0x21: {  	s3 =	sadd.s32 s3, s9;
	s6 =	sadd.s32 @!p0 $0x88, s6;
	s7 =	simm.s32 @p2 $0x1082  }
0x22: {  	[simem:s7], [sflag:s8] =	dma.local @!p0 [hbm:s6], $0xF7A  }
0x23: {  	s9 =	sor.u32 $0xD0000000, s2;
	s6 =	simm.s32 $0x108;
	_ =	swait.ge @!p0 [sflag:s8], $0x0  }
0x24: {  	s3 =	sadd.s32 $0x88, s3;
	s6 =	simm.s32 @!p1 $0x1082;
	[sflag:s4] =	ssyncset.s32 $0xFFFFF086  }
0x25: {  	[simem:s6], [sflag:s4] =	dma.local [hbm:s3], $0xF7A  }
0x26: {  	[smem:$0x3F9F] =	sst s1;
	(tag) =	ssettag s2;
	_ =	strace s9  }
0x27: {  	s1 =	sld [smem:$0x3FAF]  }
0x28: {  	s2 =	sld [smem:$0x3FB0]  }
0x29: {  	s4 =	sld [smem:$0x3FB2]  }
0x2a: {  	p0 =	seq.s32 s5, $0x0;
	s5 =	sld [smem:$0x3FB3]  }
0x2b: {  	s6 =	sld [smem:$0x3FB4]  }
0x2c: {  	s7 =	sld [smem:$0x3FB5]  }
0x2d: {  	s3 =	simm.s32 $0x108;
	s8 =	sld [smem:$0x3FB6]  }
0x2e: {  	s3 =	simm.s32 @!p0 $0x1082;
	s9 =	sld [smem:$0x3FB7]  }
0x2f: {  	lr =	sadd.s32 s0, s3;
	s0 =	sld [smem:$0x3FAE]  }
0x30: {  	s3 =	sld [smem:$0x3FB1]  }
0x31: {  	[smem:$0x3FBA] =	sst s10  }
0x32: {  	s10 =	sld [smem:$0x3FB8];
	_ =	sdelay $0x3  }
0x33: {  	p0 =	seq.s32 s10, $0x1;
	s10 =	sld [smem:$0x3FBA];
	_ =	sdelay $0x3  }
0x34: {  	[smem:$0x3FBA] =	sst s10  }
0x35: {  	s10 =	sld [smem:$0x3FB9];
	_ =	sdelay $0x3  }
0x36: {  	p1 =	seq.s32 s10, $0x1;
	s10 =	sld [smem:$0x3FBA];
	_ =	sdelay $0x3  }
0x37: {  	[smem:$0x3FBA] =	sst s10  }
0x38: {  	s10 =	sld [smem:$0x3FBB]  }
0x39: {  	_ = 	snop;
	(pc) =	sbr.ind lr, $3  }
0x3a: {  	_ = 	snop  }
0x3b: {  	_ = 	snop  }
0x3c: {  	p2 =	seq.s32 s10, $0x1;
	s10 =	sld [smem:$0x3FBA]  }
0x3d: {  	_ =	shalt  }
0x3e: {  	_ =	shalt  }
0x3f: {  	_ =	shalt  }
0x40: {  	_ =	shalt  }
0x41: {  	_ =	shalt  }
0x42: {  	_ =	shalt  }
0x43: {  	_ =	shalt  }
0x44: {  	_ =	shalt  }
0x45: {  	_ =	shalt  }
0x46: {  	_ =	shalt  }
0x47: {  	_ =	shalt  }
0x48: {  	_ =	shalt  }
0x49: {  	_ =	shalt  }
0x4a: {  	_ =	shalt  }
0x4b: {  	_ =	shalt  }
0x4c: {  	_ =	shalt  }
0x4d: {  	_ =	shalt  }
0x4e: {  	_ =	shalt  }
0x4f: {  	_ =	shalt  }
0x50: {  	_ =	shalt  }
0x51: {  	_ =	shalt  }
0x52: {  	_ =	shalt  }
0x53: {  	_ =	shalt  }
0x54: {  	_ =	shalt  }
0x55: {  	_ =	shalt  }
0x56: {  	_ =	shalt  }
0x57: {  	_ =	shalt  }
0x58: {  	_ =	shalt  }
0x59: {  	_ =	shalt  }
0x5a: {  	_ =	shalt  }
0x5b: {  	_ =	shalt  }
0x5c: {  	_ =	shalt  }
0x5d: {  	_ =	shalt  }
0x5e: {  	_ =	shalt  }
0x5f: {  	_ =	shalt  }
0x60: {  	_ =	shalt  }
0x61: {  	_ =	shalt  }
0x62: {  	_ =	shalt  }
0x63: {  	_ =	shalt  }
0x64: {  	_ =	shalt  }
0x65: {  	_ =	shalt  }
0x66: {  	_ =	shalt  }
0x67: {  	_ =	shalt  }
0x68: {  	_ =	shalt  }
0x69: {  	_ =	shalt  }
0x6a: {  	_ =	shalt  }
0x6b: {  	_ =	shalt  }
0x6c: {  	_ =	shalt  }
0x6d: {  	_ =	shalt  }
0x6e: {  	_ =	shalt  }
0x6f: {  	_ =	shalt  }
0x70: {  	_ =	shalt  }
0x71: {  	_ =	shalt  }
0x72: {  	_ =	shalt  }
0x73: {  	_ =	shalt  }
0x74: {  	_ =	shalt  }
0x75: {  	_ =	shalt  }
0x76: {  	_ =	shalt  }
0x77: {  	_ =	shalt  }
0x78: {  	_ =	shalt  }
0x79: {  	_ =	shalt  }
0x7a: {  	_ =	shalt  }
0x7b: {  	_ =	shalt  }
0x7c: {  	_ =	shalt  }
0x7d: {  	_ =	shalt  }
0x7e: {  	_ =	shalt  }
0x7f: {  	_ =	shalt  }
0x80: {  	_ =	shalt  }
0x81: {  	_ =	shalt  }
0x82: {  	_ =	shalt  }
0x83: {  	_ =	shalt  }
0x84: {  	_ =	shalt  }
0x85: {  	_ =	shalt  }
0x86: {  	_ =	shalt  }
0x87: {  	_ =	shalt  }
.Lfunc_end0:
.L_simem_size_0:
called_computation_lowered:
.L_overlay_start_0:
0x88: {  	s2 =	sld [smem:$0x3FD9]  }
0x89: {  	s3 =	sld [smem:$0x3FFE];
	_ =	sdelay $0x1  }
0x8a: {  	s1 =	srdreg.scid  }
0x8b: {  	s0 =	sand.u32 $0x1, s1  }
0x8c: {  	s17 =	sshll.u32 s0, $0xA;
	s2 =	sadd.s32 s3, s2  }
0x8d: {  	s2 =	sadd.s32 s2, s17  }
0x8e: {  	[smem:$0x3FC6] =	sst s2  }
0x8f: {  	_ = 	snop  }
0x90: {  	s2 =	sld [smem:$0x3FC9];
	(tm) =	ssettm $0x1  }
0x91: {  	s18 =	sld [smem:$0x3FFB];
	_ =	sdelay $0x3  }
0x92: {  	_ =	strace s18  }
0x93: {  	s3 =	sld [smem:$0x3FFC];
	_ =	sdelay $0x3  }
0x94: {  	_ =	strace s3  }
0x95: {  	s3 =	sld [smem:$0x3FFD];
	_ =	sdelay $0x3  }
0x96: {  	_ =	strace s3  }
0x97: {  	_ =	strace $0x8FFFFFFF  }
0x98: {  	s19 =	sld [smem:$0x3FDB];
	_ =	sdelay $0x1  }
0x99: {  	s4 =	simm.s32 $_scs_section_size  }
0x9a: {  	s5 =	simm.s32 $_size__tile_overlayer_lowered;
	s6 =	simm.s32 $_tile_overlayer_lowered  }
0x9b: {  	s22 =	simm.s32 $0x1BFF;
	s21 =	sshll.u32 s6, $0x1;
	s3 =	sadd.s32 s4, s19  }
0x9c: {  	s7 =	simm.s32 $0x0;
	s20 =	sshll.u32 s5, $0x1;
	s5 =	sadd.s32 s21, s3  }
0x9d: {  	[timem:s7], [sflag:s22] =	dma.local [hbm:s5], s20  }
0x9e: {  	_ =	swait.ge [sflag:s22], s20  }
0x9f: {  	s4 =	ssub.s32 $0x0, s20;
	[sflag:s22] =	ssyncset.done $0x0  }
0xa0: {  	[sflag:s22] =	ssyncadd.s32 s4;
	_ =	sdelay $0x1  }
0xa1: {  	s23 =	simm.s32 $0x1B8B  }
0xa2: {  	_ =	swait.ge [sflag:s23], $0x1  }
0xa3: {  	[sflag:s23] =	ssyncset.done $0x0  }
0xa4: {  	s25 =	simm.s32 $0x1B8E;
	s24 =	sld [smem:$0x3FFE];
	[sflag:s23] =	ssyncadd.s32 $0xFFFFFFFF  }
0xa5: {  	s26 =	simm.s32 $execute0_lowered;
	[smem:$0x3FD2] =	sst s25  }
0xa6: {  	s5 =	sshll.u32 s26, $0x1;
	_ =	strace $0x80000046;
	[dreg:$0x1] =	wrdreg $0xFFFFFFFF  }
0xa7: {  	s28 =	simm.s32 $_size_execute0_lowered;
	s3 =	sadd.s32 s3, s5;
	[dreg:$0x0] =	wrdreg $0x0  }
0xa8: {  	s5 =	sshll.u32 s28, $0x1;
	[dreg:$0x2] =	wrdreg s3  }
0xa9: {  	[dreg:$0x3] =	wrdreg s5  }
0xaa: {  	[dreg:$0x4] =	wrdreg $0xC0  }
0xab: {  	_ =	task [dreg:s7], $0x5FFFF  }
0xac: {  	[dreg:$0x1] =	wrdreg $0xFFFFFFFF  }
0xad: {  	[dreg:$0x0] =	wrdreg $0x60  }
0xae: {  	[dreg:$0x2] =	wrdreg s24  }
0xaf: {  	[dreg:$0x3] =	wrdreg s2  }
0xb0: {  	[dreg:$0x4] =	wrdreg $0x9  }
0xb1: {  	_ =	task.clear_ibuf [dreg:s7], $0x5FFFF;
	_ =	strace $0x90000046  }
0xb2: {  	s29 =	simm.s32 $0x9;
	_ =	strace $0x80000048  }
0xb3: {  	_ =	swait.ge [sflag:s29], $0x1  }
0xb4: {  	[sflag:s29] =	ssyncadd.s32 $0xFFFFFFFF  }
0xb5: {  	_ =	strace $0x90000048  }
0xb6: {  	_ =	sfence  }
0xb7: {  	s30 =	sld [smem:$0x0];
	_ =	sdelay $0x2  }
0xb8: {  	s31 =	sshll.u32 s1, $0xD;
	s1 =	sshrl.u32 s1, $0x2  }
0xb9: {  	s3 =	sand.u32 $0x4000, s31;
	s1 =	sadd.s32 s1, s30  }
0xba: {  	s0 =	sor.u32 s3, s0;
	s1 =	sshll.u32 s1, $0x11  }
0xbb: {  	s0 =	sor.u32 s1, s0  }
0xbc: {  	s0 =	sadd.s32 $0x8F2B, s0  }
0xbd: {  	[sflag:s0] =	ssyncadd.remote.s32 $0x1  }
0xbe: {  	_ =	sfence.sel $0xFFFF  }
0xbf: {  	[dreg:$0x0] =	wrdreg $0xFFFFFFFF;
	(pc) =	sbr.abs _section_cstart, $3  }
0xc0: {  	[dreg:$0x1] =	wrdreg $0xFFFFFFFF  }
0xc1: {  	_ =	task.clear_ibuf [dreg:s7], $0x2FFFF;
	_ =	strace $0x9FFFFFFF  }
0xc2: {  	(tm) =	ssettm $0x7FFFFFFF  }
0xc3: {  	_ =	shalt  }
tec
execute0_lowered:
.L_overlay_start_1:
0x0: {  	(tag) =	ssettag $0x1  }
0x1: {  	s4 =	rddreg [dreg:$0x0]  }
0x2: {  	s5 =	rddreg [dreg:$0x1];
	s2 =	simm.s32 $0x0  }
0x3: {  	s3 =	srdreg.scid;
	s0 =	stileid.u32;
	s10 =	simm.s32 $0x0  }
0x4: {  	vm0 =	vmmov $0x1;
	[smem:$0x7FF] =	sst s2;
	s6 =	sand.u32 $0x1, s3;
	s7 =	sshll.u32 s0, $0xA  }
0x5: {  	vm1 =	vcmask $0x308;
	vm2 =	vcmask $0x70C;
	vm3 =	vcmask $0xB10;
	s3 =	sadd.s32 $0x400, s4;
	s8 =	sshll.u32 s6, $0x9;
	s6 =	ssub.s32 $0x2, s6  }
0x6: {  	vm4 =	vcmask $0xF14;
	vm5 =	vcmask $0x1318;
	vm6 =	vcmask $0x171C;
	_ =	strace $0x80000047;
	s7 =	sor.u32 s8, s7;
	s9 =	sshrl.u32 s6, $0x1  }
0x7: {  	vm7 =	vcmask $0x1B20;
	vm8 =	vcmask $0x1F24;
	vm9 =	vcmask $0x2328;
	s8 =	sshll.u32 s7, $0x4;
	s7 =	sshrl.u32 s7, $0x3;
	s6 =	ssub.s32 s6, s9  }
0x8: {  	vm10 =	vcmask $0x272C;
	vm11 =	vcmask $0x2B30;
	vm12 =	vcmask $0x2F34;
	s8 =	sadd.s32 s8, s4;
	s4 =	sadd.s32 s5, s7;
	s6 =	smax.u32 s6, $0x1  }
0x9: {  	vm13 =	vcmask $0x3338;
	vm14 =	vcmask $0x373C;
	vm15 =	vmmov $0x7fff;
	s7 =	simm.s32 $0x2;
	s5 =	sadd.s32 $0x186E00, s8;
	s8 =	simm.s32 $0x1  }
.LBB2_1:
0xa: {  	[tilespmem:s2], [sflag:$0x2] =	stream.linear.gather [hbm4b:s4+s2], $0x200, $0x38;
	[tilespmem:$0x10200] =	vst v63  }
0xb: {  	_ =	swait.ge [sflag:s7], $0x200  }
0xc: {  	[sflag:s7] =	ssyncset.done $0x0  }
0xd: {  	[sflag:s7] =	ssyncadd.s32 $0xFFFFFE00  }
0xe: {  	v0 =	vld [tilespmem:s2+$0x0];
	_ =	sdelay $0x4  }
0xf: {  	v1 =	vsel vm3, $0x0, v0  }
0x10: {  	v2 =	vsel vm2, $0x0, v0;
	(xrf0) =	vadd.scan.msk.s32 $0xffff, v1  }
0x11: {  	v39 =	vnsel vm0, $0x0, v0;
	(xrf0) =	vadd.scan.msk.s32 $0xffff, v2  }
0x12: {  	(xrf0) =	vadd.scan.msk.s32 $0xffff, v39;
	_ =	sdelay $0x1  }
0x13: {  	v40 =	vsel vm1, $0x0, v0  }
0x14: {  	(xrf0) =	vadd.scan.msk.s32 $0xffff, v40  }
0x15: {  	v41, _, _ =	vpop (xrf0)  }
0x16: {  	v42 =	vsel vm8, $0x0, v0;
	v3, _, _ =	vpop (xrf0);
	(v2sf) =	vpush v41, $0xF  }
0x17: {  	v43 =	vsel vm5, $0x0, v0;
	(xrf0) =	vadd.scan.msk.s32 $0xffff, v42;
	v44, _, _ =	vpop (xrf0);
	(v2sf) =	vpush v3, $0xF  }
0x18: {  	v45 =	vsel vm4, $0x0, v0;
	(xrf0) =	vadd.scan.msk.s32 $0xffff, v43;
	(v2sf) =	vpush v44, $0xF  }
0x19: {  	v46 =	vsel vm9, $0x0, v0;
	(xrf0) =	vadd.scan.msk.s32 $0xffff, v45  }
0x1a: {  	v48 =	vsel vm10, $0x0, v0;
	v47, _, _ =	vpop (xrf0);
	(xrf0) =	vadd.scan.msk.s32 $0xffff, v46  }
0x1b: {  	v49 =	vsel vm11, $0x0, v0;
	(xrf0) =	vadd.scan.msk.s32 $0xffff, v48  }
0x1c: {  	v50 =	vsel vm12, $0x0, v0;
	(v2sf) =	vpush v47, $0xF;
	(xrf0) =	vadd.scan.msk.s32 $0xffff, v49  }
0x1d: {  	v51 =	vsel vm13, $0x0, v0;
	v52, _, _ =	vpop (xrf0);
	(xrf0) =	vadd.scan.msk.s32 $0xffff, v50  }
0x1e: {  	v53 =	vsel vm6, $0x0, v0;
	v4, _, _ =	vpop (xrf0);
	(xrf0) =	vadd.scan.msk.s32 $0xffff, v51  }
0x1f: {  	v55 =	vsel vm7, $0x0, v0;
	v54, _, _ =	vpop (xrf0);
	(xrf0) =	vadd.scan.msk.s32 $0xffff, v53  }
0x20: {  	(v2sf) =	vpush v52, $0xF;
	v56, _, _ =	vpop (xrf0);
	(xrf0) =	vadd.scan.msk.s32 $0xffff, v55  }
0x21: {  	v57, _, _ =	vpop (xrf0)  }
0x22: {  	(v2sf) =	vpush v4, $0xF;
	v58, _, _ =	vpop (xrf0)  }
0x23: {  	v59, _, _ =	vpop (xrf0)  }
0x24: {  	(v2sf) =	vpush v54, $0xF;
	v5, _, _ =	vpop (xrf0)  }
0x25: {  	v6, _, _ =	vpop (xrf0);
	s14 =	spop (v2sf)  }
0x26: {  	s11 =	simm.s32 $0x2000;
	v60, _, _ =	vpop (xrf0);
	(v2sf) =	vpush v6, $0xF;
	s18 =	spop (v2sf)  }
0x27: {  	s13 =	simm.s32 $0x0;
	s17 =	simm.s32 $0x300;
	s15 =	spop (v2sf);
	(v2sf) =	vpush v60, $0xF  }
0x28: {  	s16 =	simm.s32 $0x600;
	s19 =	simm.s32 $0x400;
	s12 =	simm.s32 $0x200  }
0x29: {  	s20 =	simm.s32 $0x280;
	s21 =	simm.s32 $0x480;
	p0 =	por $0x1, $0x1  }
0x2a: {  	s29 =	simm.s32 $0x380;
	s1 =	sshll.u32 s14, $0x4;
	s14 =	simm.s32 $0x10  }
0x2b: {  	s18 =	sshll.u32 s18, $0x4;
	s22 =	sshll.u32 s15, $0x4;
	s23 =	spop (v2sf)  }
0x2c: {  	s26 =	sand.u32 $0x1FFFFFF0, s1;
	s22 =	sand.u32 $0x1FFFFFF0, s22;
	s23 =	sshll.u32 s23, $0x4  }
0x2d: {  	s15 =	simm.s32 $0x880;
	s22 =	sadd.s32 s3, s22;
	s0 =	sand.u32 $0x1FFFFFF0, s23  }
0x2e: {  	[tilespmem:s12], [sflag:$0x1] =	stream.linear.gather [hbm4b:s22+s2], $0x80, $0x38;
	[tilespmem:$0x10200] =	vst v63  }
0x2f: {  	s18 =	sand.u32 $0x1FFFFFF0, s18;
	(v2sf) =	vpush v56, $0xF;
	s23 =	spop (v2sf);
	s22 =	sadd.s32 s3, s0  }
0x30: {  	[tilespmem:s20], [sflag:$0x1] =	stream.linear.gather [hbm4b:s22+s2], $0x80, $0x38;
	[tilespmem:$0x10200] =	vst v63  }
0x31: {  	s25 =	sadd.s32 s3, s18;
	s18 =	simm.s32 $0x780;
	s9 =	spop (v2sf);
	(v2sf) =	vpush v57, $0xF  }
0x32: {  	[tilespmem:s17], [sflag:$0x1] =	stream.linear.gather [hbm4b:s25+s2], $0x80, $0x38;
	[tilespmem:$0x10200] =	vst v63  }
0x33: {  	s12 =	simm.s32 $0x1;
	s28 =	spop (v2sf);
	s17 =	sadd.s32 s3, s26  }
0x34: {  	v61 =	vsel vm14, $0x0, v0;
	(v2sf) =	vpush v58, $0xF;
	[tilespmem:s29], [sflag:$0x1] =	stream.linear.gather [hbm4b:s17+s2], $0x80, $0x38;
	[tilespmem:$0x10200] =	vst v63  }
0x35: {  	(xrf0) =	vadd.scan.msk.s32 $0xffff, v61;
	s30 =	sshll.u32 s9, $0x4;
	s24 =	sshll.u32 s28, $0x4;
	s0 =	spop (v2sf)  }
0x36: {  	v0 =	vsel vm15, $0x0, v0;
	s31 =	sand.u32 $0x1FFFFFF0, s24;
	s24 =	simm.s32 $0x500;
	s9 =	spop (v2sf);
	(v2sf) =	vpush v59, $0xF  }
0x37: {  	(xrf0) =	vadd.scan.msk.s32 $0xffff, v0;
	s26 =	simm.s32 $0x580;
	s20 =	sadd.s32 s3, s31;
	s17 =	sand.u32 $0x1FFFFFF0, s30  }
0x38: {  	[tilespmem:s19], [sflag:$0x1] =	stream.linear.gather [hbm4b:s20+s2], $0x80, $0x38;
	[tilespmem:$0x10200] =	vst v63  }
0x39: {  	s29 =	sshll.u32 s23, $0x4;
	s17 =	sadd.s32 s3, s17;
	s1 =	sshll.u32 s0, $0x4  }
0x3a: {  	[tilespmem:s21], [sflag:$0x1] =	stream.linear.gather [hbm4b:s17+s2], $0x80, $0x38;
	(v2sf) =	vpush v5, $0xF;
	[tilespmem:$0x10200] =	vst v63  }
0x3b: {  	v62, _, _ =	vpop (xrf0);
	s19 =	simm.s32 $0x800;
	s20 =	sand.u32 $0x1FFFFFF0, s1;
	s22 =	sshll.u32 s9, $0x4  }
0x3c: {  	s17 =	simm.s32 @!p0 $0x1;
	s25 =	sadd.s32 s3, s20;
	s22 =	sand.u32 $0x1FFFFFF0, s22;
	(v2sf) =	vpush v62, $0xF  }
0x3d: {  	v63, _, _ =	vpop (xrf0);
	[tilespmem:s24], [sflag:$0x1] =	stream.linear.gather [hbm4b:s25+s2], $0x80, $0x38;
	[tilespmem:$0x10200] =	vst v63  }
0x3e: {  	s21 =	sand.u32 $0x1FFFFFF0, s29;
	s30 =	spop (v2sf);
	s28 =	sadd.s32 s3, s22;
	(v2sf) =	vpush v63, $0xF  }
0x3f: {  	[tilespmem:s26], [sflag:$0x1] =	stream.linear.gather [hbm4b:s28+s2], $0x80, $0x38;
	[tilespmem:$0x10200] =	vst v63  }
0x40: {  	s23 =	sadd.s32 s3, s21;
	s22 =	sshll.u32 s30, $0x4;
	s31 =	spop (v2sf)  }
0x41: {  	s20 =	simm.s32 $0x700;
	s22 =	sand.u32 $0x1FFFFFF0, s22;
	s21 =	sshll.u32 s31, $0x4  }
.LBB2_2:
0x42: {  	s24 =	sadd.s32 $0x680, s13  }
0x43: {  	s25 =	sand.u32 $0x1FFFFFF0, s21;
	s26 =	spop (v2sf);
	s21 =	smov.u32 s11  }
0x44: {  	[tilespmem:s16], [sflag:$0x1] =	stream.linear.gather [hbm4b:s23+s2], $0x80, $0x38;
	[tilespmem:$0x10200] =	vst v63  }
0x45: {  	s16 =	sadd.s32 s3, s22;
	s22 =	sshll.u32 s26, $0x4;
	s23 =	spop (v2sf)  }
0x46: {  	[tilespmem:s24], [sflag:$0x1] =	stream.linear.gather [hbm4b:s16+s2], $0x80, $0x38;
	[tilespmem:$0x10200] =	vst v63  }
0x47: {  	s22 =	sand.u32 $0x1FFFFFF0, s22;
	s16 =	sadd.s32 s3, s25;
	s23 =	sshll.u32 s23, $0x4  }
0x48: {  	[tilespmem:s20], [sflag:$0x1] =	stream.linear.gather [hbm4b:s16+s2], $0x80, $0x38;
	[tilespmem:$0x10200] =	vst v63  }
0x49: {  	s16 =	sadd.s32 s3, s22;
	s20 =	sand.u32 $0x1FFFFFF0, s23;
	s22 =	spop (v2sf)  }
0x4a: {  	[tilespmem:s18], [sflag:$0x1] =	stream.linear.gather [hbm4b:s16+s2], $0x80, $0x38;
	[tilespmem:$0x10200] =	vst v63  }
0x4b: {  	s16 =	sadd.s32 s3, s20;
	s18 =	sshll.u32 s22, $0x4;
	s20 =	spop (v2sf)  }
0x4c: {  	[tilespmem:s19], [sflag:$0x1] =	stream.linear.gather [hbm4b:s16+s2], $0x80, $0x38;
	[tilespmem:$0x10200] =	vst v63  }
0x4d: {  	s16 =	sand.u32 $0x1FFFFFF0, s18;
	s18 =	sshll.u32 s20, $0x4;
	s19 =	spop (v2sf)  }
0x4e: {  	s16 =	sadd.s32 s3, s16;
	s18 =	sand.u32 $0x1FFFFFF0, s18;
	s19 =	sshll.u32 s19, $0x4  }
0x4f: {  	[tilespmem:s15], [sflag:$0x1] =	stream.linear.gather [hbm4b:s16+s2], $0x80, $0x38;
	[tilespmem:$0x10200] =	vst v63  }
0x50: {  	s15 =	sadd.s32 $0x900, s13;
	s16 =	sadd.s32 s3, s18;
	s18 =	sand.u32 $0x1FFFFFF0, s19  }
0x51: {  	[tilespmem:s15], [sflag:$0x1] =	stream.linear.gather [hbm4b:s16+s2], $0x80, $0x38;
	[tilespmem:$0x10200] =	vst v63  }
0x52: {  	s11 =	sadd.s32 $0x2000, s11;
	s13 =	sadd.s32 $0x980, s13;
	s15 =	sadd.s32 s3, s18  }
0x53: {  	[tilespmem:s13], [sflag:$0x1] =	stream.linear.gather [hbm4b:s15+s2], $0x80, $0x38;
	[tilespmem:$0x10200] =	vst v63  }
0x54: {  	p1 =	sne.s32 s11, $0x40000;
	_ =	swait.ge @!p0 [sflag:s17], $0x800  }
0x55: {  	[sflag:s17] =	ssyncset.done @!p0 $0x0  }
0x56: {  	[sflag:s17] =	ssyncadd.s32 @!p0 $0xFFFFF800  }
0x57: {  	v0 =	vld [tilespmem:s14+$0x0];
	_ =	sdelay $0x4  }
0x58: {  	v1 =	vsel vm2, $0x0, v0;
	v2 =	vsel vm3, $0x0, v0;
	v3 =	vsel vm14, $0x0, v0  }
0x59: {  	v4 =	vnsel vm0, $0x0, v0;
	v5 =	vsel vm1, $0x0, v0;
	v6 =	vsel vm15, $0x0, v0;
	(xrf0) =	vadd.scan.msk.s32 $0xffff, v2  }
0x5a: {  	v2 =	vsel vm6, $0x0, v0;
	(xrf0) =	vadd.scan.msk.s32 $0xffff, v1  }
0x5b: {  	v1 =	vsel vm7, $0x0, v0;
	(xrf0) =	vadd.scan.msk.s32 $0xffff, v4  }
0x5c: {  	v4 =	vsel vm8, $0x0, v0;
	(xrf0) =	vadd.scan.msk.s32 $0xffff, v5  }
0x5d: {  	v5 =	vsel vm5, $0x0, v0;
	(xrf0) =	vadd.scan.msk.s32 $0xffff, v4  }
0x5e: {  	v4 =	vsel vm4, $0x0, v0;
	(xrf0) =	vadd.scan.msk.s32 $0xffff, v5  }
0x5f: {  	v5 =	vsel vm9, $0x0, v0;
	v7, _, _ =	vpop (xrf0);
	(xrf0) =	vadd.scan.msk.s32 $0xffff, v4  }
0x60: {  	v4 =	vsel vm10, $0x0, v0;
	v8, _, _ =	vpop (xrf0);
	(v2sf) =	vpush v7, $0xF;
	(xrf0) =	vadd.scan.msk.s32 $0xffff, v5  }
0x61: {  	v9 =	vsel vm11, $0x0, v0;
	v7, _, _ =	vpop (xrf0);
	(v2sf) =	vpush v8, $0xF;
	(xrf0) =	vadd.scan.msk.s32 $0xffff, v4  }
0x62: {  	s13 =	sshra.s32 s21, $0x2;
	v8 =	vsel vm12, $0x0, v0;
	(v2sf) =	vpush v7, $0xF;
	v7, _, _ =	vpop (xrf0);
	(xrf0) =	vadd.scan.msk.s32 $0xffff, v9  }
0x63: {  	s22 =	sadd.s32 $0x300, s13;
	s16 =	sadd.s32 $0x600, s13;
	v9 =	vsel vm13, $0x0, v0;
	(v2sf) =	vpush v7, $0xF;
	v5, _, _ =	vpop (xrf0);
	(xrf0) =	vadd.scan.msk.s32 $0xffff, v8  }
0x64: {  	s21 =	sadd.s32 $0x400, s13;
	v4, _, _ =	vpop (xrf0);
	(v2sf) =	vpush v5, $0xF;
	(xrf0) =	vadd.scan.msk.s32 $0xffff, v9  }
0x65: {  	s28 =	sadd.s32 $0x200, s13;
	s26 =	sadd.s32 $0x280, s13;
	v0, _, _ =	vpop (xrf0);
	(v2sf) =	vpush v4, $0xF;
	(xrf0) =	vadd.scan.msk.s32 $0xffff, v2  }
0x66: {  	(xrf0) =	vadd.scan.msk.s32 $0xffff, v1;
	v1, _, _ =	vpop (xrf0)  }
0x67: {  	s23 =	sadd.s32 $0x480, s13;
	(v2sf) =	vpush v0, $0xF;
	v0, _, _ =	vpop (xrf0);
	(xrf0) =	vadd.scan.msk.s32 $0xffff, v3  }
0x68: {  	v2, _, _ =	vpop (xrf0);
	(xrf0) =	vadd.scan.msk.s32 $0xffff, v6  }
0x69: {  	v3, _, _ =	vpop (xrf0)  }
0x6a: {  	v4, _, _ =	vpop (xrf0)  }
0x6b: {  	v5, _, _ =	vpop (xrf0)  }
0x6c: {  	s15 =	sadd.s32 $0x880, s13;
	v6, _, _ =	vpop (xrf0)  }
0x6d: {  	p0 =	slt.u32 s12, $0xC;
	s12 =	sadd.s32 $0x1, s12;
	s14 =	sadd.s32 $0x10, s14;
	(v2sf) =	vpush v5, $0xF;
	v5, _, _ =	vpop (xrf0)  }
0x6e: {  	s18 =	sadd.s32 $0x780, s13;
	s19 =	sadd.s32 $0x800, s13;
	s17 =	simm.s32 @!p0 $0x1;
	v7, _, _ =	vpop (xrf0)  }
0x6f: {  	s24 =	sadd.s32 $0x580, s13;
	s20 =	sadd.s32 $0x700, s13;
	s25 =	spop (v2sf);
	(v2sf) =	vpush v6, $0xF  }
0x70: {  	s29 =	sshll.u32 s25, $0x4;
	s25 =	sadd.s32 $0x500, s13;
	s30 =	spop (v2sf)  }
0x71: {  	s31 =	spop (v2sf)  }
0x72: {  	s30 =	sshll.u32 s30, $0x4;
	s29 =	sand.u32 $0x1FFFFFF0, s29;
	(v2sf) =	vpush v1, $0xF;
	s31 =	sshll.u32 s31, $0x4  }
0x73: {  	s30 =	sand.u32 $0x1FFFFFF0, s30;
	s0 =	spop (v2sf);
	s31 =	sand.u32 $0x1FFFFFF0, s31  }
0x74: {  	s0 =	sshll.u32 s0, $0x4;
	s1 =	spop (v2sf);
	(v2sf) =	vpush v0, $0xF;
	s31 =	sadd.s32 s3, s31  }
0x75: {  	s0 =	sand.u32 $0x1FFFFFF0, s0;
	s9 =	spop (v2sf);
	s1 =	sshll.u32 s1, $0x4  }
0x76: {  	[tilespmem:s28], [sflag:$0x1] =	stream.linear.gather [hbm4b:s31+s2], $0x80, $0x38;
	[tilespmem:$0x10200] =	vst v63  }
0x77: {  	s0 =	sadd.s32 s3, s0;
	s28 =	sadd.s32 $0x380, s13;
	s31 =	spop (v2sf)  }
0x78: {  	[tilespmem:s26], [sflag:$0x1] =	stream.linear.gather [hbm4b:s0+s2], $0x80, $0x38;
	(v2sf) =	vpush v2, $0xF;
	[tilespmem:$0x10200] =	vst v63  }
0x79: {  	s9 =	sshll.u32 s9, $0x4;
	s0 =	sadd.s32 s3, s30;
	s26 =	sshll.u32 s31, $0x4  }
0x7a: {  	[tilespmem:s22], [sflag:$0x1] =	stream.linear.gather [hbm4b:s0+s2], $0x80, $0x38;
	(v2sf) =	vpush v3, $0xF;
	[tilespmem:$0x10200] =	vst v63  }
0x7b: {  	s9 =	sand.u32 $0x1FFFFFF0, s9;
	s0 =	sadd.s32 s3, s29;
	s22 =	sand.u32 $0x1FFFFFF0, s26  }
0x7c: {  	[tilespmem:s28], [sflag:$0x1] =	stream.linear.gather [hbm4b:s0+s2], $0x80, $0x38;
	[tilespmem:$0x10200] =	vst v63  }
0x7d: {  	s1 =	sand.u32 $0x1FFFFFF0, s1;
	s0 =	sadd.s32 s3, s22;
	s22 =	spop (v2sf)  }
0x7e: {  	[tilespmem:s21], [sflag:$0x1] =	stream.linear.gather [hbm4b:s0+s2], $0x80, $0x38;
	(v2sf) =	vpush v4, $0xF;
	[tilespmem:$0x10200] =	vst v63  }
0x7f: {  	s0 =	sadd.s32 s3, s9;
	s9 =	sshll.u32 s22, $0x4;
	s21 =	spop (v2sf)  }
0x80: {  	[tilespmem:s23], [sflag:$0x1] =	stream.linear.gather [hbm4b:s0+s2], $0x80, $0x38;
	(v2sf) =	vpush v5, $0xF;
	[tilespmem:$0x10200] =	vst v63  }
0x81: {  	s9 =	sand.u32 $0x1FFFFFF0, s9;
	s0 =	sshll.u32 s21, $0x4;
	s21 =	spop (v2sf)  }
.Ltmp0:
0x82: {  	s0 =	sand.u32 $0x1FFFFFF0, s0;
	s21 =	sshll.u32 s21, $0x4;
	(v2sf) =	vpush v7, $0xF;
	(pc) =	sbr.rel @p1 .LBB2_2-.Ltmp0, $4  }
0x83: {  	s9 =	sadd.s32 s3, s9;
	s22 =	sand.u32 $0x1FFFFFF0, s21;
	s21 =	spop (v2sf)  }
0x84: {  	[tilespmem:s25], [sflag:$0x1] =	stream.linear.gather [hbm4b:s9+s2], $0x80, $0x38;
	[tilespmem:$0x10200] =	vst v63  }
0x85: {  	s23 =	sadd.s32 s3, s1;
	s0 =	sadd.s32 s3, s0;
	s21 =	sshll.u32 s21, $0x4  }
0x86: {  	[tilespmem:s24], [sflag:$0x1] =	stream.linear.gather [hbm4b:s0+s2], $0x80, $0x38;
	[tilespmem:$0x10200] =	vst v63  }
0x87: {  	s0 =	sadd.s32 $0x680, s13;
	s1 =	sand.u32 $0x1FFFFFF0, s21;
	s9 =	spop (v2sf)  }
0x88: {  	[tilespmem:s16], [sflag:$0x1] =	stream.linear.gather [hbm4b:s23+s2], $0x80, $0x38;
	[tilespmem:$0x10200] =	vst v63  }
0x89: {  	s11 =	sadd.s32 s3, s22;
	s9 =	sshll.u32 s9, $0x4;
	s12 =	spop (v2sf)  }
0x8a: {  	[tilespmem:s0], [sflag:$0x1] =	stream.linear.gather [hbm4b:s11+s2], $0x80, $0x38;
	[tilespmem:$0x10200] =	vst v63  }
0x8b: {  	s1 =	sadd.s32 s3, s1;
	s11 =	sand.u32 $0x1FFFFFF0, s9;
	s12 =	sshll.u32 s12, $0x4  }
0x8c: {  	[tilespmem:s20], [sflag:$0x1] =	stream.linear.gather [hbm4b:s1+s2], $0x80, $0x38;
	[tilespmem:$0x10200] =	vst v63  }
0x8d: {  	s14 =	sadd.s32 s3, s11;
	s16 =	sand.u32 $0x1FFFFFF0, s12;
	s20 =	spop (v2sf)  }
0x8e: {  	[tilespmem:s18], [sflag:$0x1] =	stream.linear.gather [hbm4b:s14+s2], $0x80, $0x38;
	[tilespmem:$0x10200] =	vst v63  }
0x8f: {  	s21 =	sadd.s32 s3, s16;
	s22 =	sshll.u32 s20, $0x4  }
0x90: {  	[tilespmem:s19], [sflag:$0x1] =	stream.linear.gather [hbm4b:s21+s2], $0x80, $0x38;
	[tilespmem:$0x10200] =	vst v63  }
0x91: {  	s23 =	spop (v2sf);
	s24 =	sand.u32 $0x1FFFFFF0, s22  }
0x92: {  	s25 =	sshll.u32 s23, $0x4;
	s0 =	sadd.s32 s3, s24;
	s26 =	spop (v2sf)  }
0x93: {  	[tilespmem:s15], [sflag:$0x1] =	stream.linear.gather [hbm4b:s0+s2], $0x80, $0x38;
	[tilespmem:$0x10200] =	vst v63  }
0x94: {  	s1 =	sand.u32 $0x1FFFFFF0, s25;
	s9 =	sshll.u32 s26, $0x4  }
0x95: {  	s28 =	sadd.s32 $0x900, s13;
	s1 =	sadd.s32 s3, s1;
	s9 =	sand.u32 $0x1FFFFFF0, s9  }
0x96: {  	[tilespmem:s28], [sflag:$0x1] =	stream.linear.gather [hbm4b:s1+s2], $0x80, $0x38;
	[tilespmem:$0x10200] =	vst v63  }
0x97: {  	s29 =	sadd.s32 $0x980, s13;
	s30 =	sadd.s32 s3, s9  }
0x98: {  	[tilespmem:s29], [sflag:$0x1] =	stream.linear.gather [hbm4b:s30+s2], $0x80, $0x38;
	[tilespmem:$0x10200] =	vst v63  }
0x99: {  	_ =	swait.ge @!p0 [sflag:s17], $0x800  }
0x9a: {  	[sflag:s17] =	ssyncset.done @!p0 $0x0  }
0x9b: {  	[sflag:s17] =	ssyncadd.s32 @!p0 $0xFFFFF800  }
0x9c: {  	_ =	swait.ge [sflag:s8], $0x800  }
0x9d: {  	[sflag:s8] =	ssyncset.done $0x0  }
0x9e: {  	[sflag:s8] =	ssyncadd.s32 $0xFFFFF800  }
0x9f: {  	_ =	swait.ge [sflag:s8], $0x800  }
0xa0: {  	[sflag:s8] =	ssyncset.done $0x0  }
0xa1: {  	[sflag:s8] =	ssyncadd.s32 $0xFFFFF800  }
0xa2: {  	_ =	swait.ge [sflag:s8], $0x800  }
0xa3: {  	[sflag:s8] =	ssyncset.done $0x0  }
0xa4: {  	[sflag:s8] =	ssyncadd.s32 $0xFFFFF800  }
0xa5: {  	_ =	swait.ge [sflag:s8], $0x800  }
0xa6: {  	[sflag:s8] =	ssyncset.done $0x0  }
0xa7: {  	[sflag:s8] =	ssyncadd.s32 $0xFFFFF800  }
0xa8: {  	_ =	swait.ge [sflag:s8], $0x800  }
0xa9: {  	[sflag:s8] =	ssyncset.done $0x0  }
0xaa: {  	[sflag:s8] =	ssyncadd.s32 $0xFFFFF800  }
0xab: {  	_ =	swait.ge [sflag:s8], $0x800  }
0xac: {  	[sflag:s8] =	ssyncset.done $0x0  }
0xad: {  	[sflag:s8] =	ssyncadd.s32 $0xFFFFF800  }
0xae: {  	_ =	swait.ge [sflag:s8], $0x800  }
0xaf: {  	[sflag:s8] =	ssyncset.done $0x0  }
0xb0: {  	[sflag:s8] =	ssyncadd.s32 $0xFFFFF800  }
0xb1: {  	_ =	swait.ge [sflag:s8], $0x800  }
0xb2: {  	[sflag:s8] =	ssyncset.done $0x0  }
0xb3: {  	[sflag:s8] =	ssyncadd.s32 $0xFFFFF800  }
0xb4: {  	_ =	swait.ge [sflag:s8], $0x800  }
0xb5: {  	[sflag:s8] =	ssyncset.done $0x0  }
0xb6: {  	[sflag:s8] =	ssyncadd.s32 $0xFFFFF800  }
0xb7: {  	_ =	swait.ge [sflag:s8], $0x800  }
0xb8: {  	[sflag:s8] =	ssyncset.done $0x0  }
0xb9: {  	[sflag:s8] =	ssyncadd.s32 $0xFFFFF800  }
0xba: {  	_ =	swait.ge [sflag:s8], $0x800  }
0xbb: {  	[sflag:s8] =	ssyncset.done $0x0  }
0xbc: {  	[sflag:s8] =	ssyncadd.s32 $0xFFFFF800  }
0xbd: {  	s10 =	sadd.s32 $0x1, s10;
	_ =	swait.ge [sflag:s8], $0x800  }
0xbe: {  	p0 =	sne.s32 s10, s6;
	[sflag:s8] =	ssyncset.done $0x0  }
.Ltmp1:
0xbf: {  	s31 =	simm.s32 $0x200;
	[sflag:s8] =	ssyncadd.s32 $0xFFFFF800;
	(pc) =	sbr.rel @p0 .LBB2_1-.Ltmp1, $4  }
0xc0: {  	[hbm4b:s5+s2] =	stream.linear.scatter [tilespmem:s31], [sflag:$0x2], $0x10000, $0x38;
	[tilespmem:$0x10200] =	vst v63  }
0xc1: {  	_ =	swait.ge [sflag:s7], $0x10000  }
0xc2: {  	[sflag:s7] =	ssyncset.done $0x0  }
0xc3: {  	[sflag:s7] =	ssyncadd.s32 $0xFFFF0000  }
0xc4: {  	_ =	sfence.sel $0x180000  }
0xc5: {  	[bflag:$0x0] =	sbarrier.arrive $0xFFFF  }
0xc6: {  	_ =	strace $0x90000047  }
0xc7: {  	s0 =	stileid.u32;
	[bflag:$0x2] =	sbarrier.arrive $0xFFFF  }
0xc8: {  	p0 =	sne.s32 s0, $0x0;
	s0 =	rddreg [dreg:$0x2]  }
0xc9: {  	s0 =	sadd.s32 @!p0 $0x100000, s0  }
0xca: {  	[sflag:s0] =	ssyncadd.tile.s32 @!p0 $0x1;
	_ =	shalt  }
.Lfunc_end2:
_tile_overlayer_lowered:
.L_overlay_start_2:
0xcb: {  	(tag) =	ssettag $0x2  }
0xcc: {  	s0 =	rddreg [dreg:$0x0];
	s2 =	stileid.u32  }
0xcd: {  	s1 =	rddreg [dreg:$0x1];
	p0 =	sne.s32 s2, $0x0  }
0xce: {  	s3 =	rddreg [dreg:$0x2];
	[bflag:$0x3] =	sbarrier.arrive $0xFFFF;
	s2 =	simm.s32 @!p0 $0x1C02  }
0xcf: {  	[timem:s3], [sflag:s2] =	dma.local @!p0 [hbm:s0], s1  }
0xd0: {  	s0 =	simm.s32 @!p0 $0x2  }
0xd1: {  	_ =	swait.ge @!p0 [sflag:s0], s1  }
0xd2: {  	s1 =	ssub.s32 @!p0 $0x0, s1;
	[sflag:s0] =	ssyncset.done @!p0 $0x0  }
0xd3: {  	[sflag:s0] =	ssyncadd.s32 @!p0 s1  }
0xd4: {  	[bflag:$0x3] =	sbarrier.arrive $0xFFFF  }
0xd5: {  	_ =	shalt  }

</sc_bundles>
